<compile_context>
chip_gen: v7x
topology: tpu7x:2x2x1
jax: 0.10.2.dev20260603
libtpu: 0.0.44.dev20260713+nightly
codegen_flags: <defaults>
</compile_context>

<pallas_src>
import functools

import jax
import jax.numpy as jnp
from jax import lax
from jax.experimental import pallas as pl
from jax.experimental.pallas import tpu as pltpu
from jax.experimental.pallas import tpu_sc as plsc

_NS = 16
_ROW = 12 * 64
_N_SRC = 512
_N_CACHE = 1024
_SRC_PER = _N_SRC // _NS
_HALF = _SRC_PER // 2
_CACHE_PER = _N_CACHE // _NS


def kernel(input_pos, k_val, k_cache):
    kv = k_val.reshape(_N_SRC, _ROW)
    kc = k_cache.reshape(_N_CACHE, _ROW)

    mesh = plsc.VectorSubcoreMesh(
        core_axis_name="c", subcore_axis_name="s",
        num_cores=1, num_subcores=_NS)

    @functools.partial(
        pl.kernel,
        out_type=jax.ShapeDtypeStruct((_N_CACHE, _ROW), jnp.float32),
        mesh=mesh,
        scratch_types=[
            pltpu.VMEM((_N_SRC,), jnp.int32),
            pltpu.VMEM((_SRC_PER,), jnp.int32),
            pltpu.VMEM((_SRC_PER, _ROW), jnp.float32),
            pltpu.VMEM((_CACHE_PER, _ROW), jnp.float32),
            pltpu.SemaphoreType.DMA,
            pltpu.SemaphoreType.DMA,
            pltpu.SemaphoreType.DMA,
            pltpu.SemaphoreType.DMA,
            pltpu.SemaphoreType.DMA,
            pltpu.SemaphoreType.DMA,
        ],
    )
    def sc_put(pos_hbm, kval_hbm, kcache_hbm, out_hbm,
               idx_all, idx_v, rows_v, cache_v,
               sem_a, sem_b, sem_c, sem_d, sem_i, sem_put):
        s = lax.axis_index("s")
        base = s * _SRC_PER

        stages = []
        for half, sem in ((0, sem_a), (1, sem_b)):
            stages.append(pltpu.async_copy(
                kval_hbm.at[pl.ds(base + half * _HALF, _HALF)],
                rows_v.at[pl.ds(half * _HALF, _HALF)], sem))
        for half, sem in ((0, sem_c), (1, sem_d)):
            stages.append(pltpu.async_copy(
                kcache_hbm.at[pl.ds(_N_SRC + base + half * _HALF, _HALF)],
                cache_v.at[pl.ds(half * _HALF, _HALF)], sem))
        idx_cp = pltpu.async_copy(pos_hbm, idx_all, sem_i)

        puts = []
        stages[0].wait()
        puts.append(pltpu.async_copy(
            rows_v.at[pl.ds(0, _HALF)],
            out_hbm.at[pl.ds(base, _HALF)], sem_put))
        stages[1].wait()
        puts.append(pltpu.async_copy(
            rows_v.at[pl.ds(_HALF, _HALF)],
            out_hbm.at[pl.ds(base + _HALF, _HALF)], sem_put))
        stages[2].wait()
        puts.append(pltpu.async_copy(
            cache_v.at[pl.ds(0, _HALF)],
            out_hbm.at[pl.ds(_N_SRC + base, _HALF)], sem_put))
        stages[3].wait()
        puts.append(pltpu.async_copy(
            cache_v.at[pl.ds(_HALF, _HALF)],
            out_hbm.at[pl.ds(_N_SRC + base + _HALF, _HALF)], sem_put))

        idx_cp.wait()
        mismatch = jnp.zeros((16,), jnp.int32)
        lanes = lax.iota(jnp.int32, 16)
        for i in range(_N_SRC // 16):
            v = idx_all[pl.ds(i * 16, 16)]
            mismatch = mismatch | (v ^ (lanes + i * 16))
        any_mismatch = jnp.int32(0)
        for i in range(16):
            any_mismatch = any_mismatch | mismatch[i]
        is_fast = any_mismatch == 0

        for p in puts:
            p.wait()

        @pl.when(jnp.logical_not(is_fast))
        def _general():
            plsc.subcore_barrier()
            pltpu.sync_copy(kcache_hbm.at[pl.ds(s * _CACHE_PER, _CACHE_PER)],
                            cache_v)
            pltpu.sync_copy(cache_v,
                            out_hbm.at[pl.ds(s * _CACHE_PER, _CACHE_PER)])
            pltpu.sync_copy(pos_hbm.at[pl.ds(base, _SRC_PER)], idx_v)
            pltpu.sync_copy(kval_hbm.at[pl.ds(base, _SRC_PER)], rows_v)
            plsc.subcore_barrier()
            pltpu.async_copy(rows_v, out_hbm.at[idx_v], sem_put).wait()

    out = sc_put(input_pos, kv, kc)
    return out.reshape(k_cache.shape)

# --- scband reference (transcript-rebuilt; emitter-appended) ---
"""Pipeline reference for scband-index-put-35390530519428 (READ-ONLY COPY).

The authoritative reference and input builder live on the scoring server;
editing this copy changes nothing except your own understanding.
"""

import jax, jax.numpy as jnp
import numpy as np


def setup_inputs(seed: int = 0) -> dict:
    key = jax.random.key(seed)
    k1, _ = jax.random.split(key)
    # positions to write into the cache (in-range: < 1024)
    input_pos = jnp.arange(512, dtype=jnp.int32)
    # new key values to scatter into the cache
    k_val = jax.random.normal(k1, (1, 512, 12, 64), dtype=jnp.float32)
    # learned/stateful buffer: the KV cache, sized per the module's __init__
    k_cache = jnp.zeros((1, 1024, 12, 64), dtype=jnp.float32)
    return {"input_pos": input_pos, "k_val": k_val, "k_cache": k_cache}


def reference(input_pos, k_val, k_cache):
    # torch.ops.aten.index_put_(k_cache, [None, input_pos], k_val)
    # indexes dim 1 with input_pos (dim 0 is full slice) and overwrites.
    k_out = k_cache.at[:, input_pos].set(k_val)
    return k_out

if __name__ == "__main__":
    import jax
    _d = setup_inputs()
    print(jax.jit(kernel)(*tuple(_d.values())))

</pallas_src>

<mosaic_0001>
#map = affine_map<(d0, d1) -> (0)>
#map1 = affine_map<(d0, d1) -> (0, 0)>
module attributes {stable_mosaic.version = 14 : i64} {
  func.func @sc_put(%arg0: i32, %arg1: i32, %arg2: memref<512xi32, #tpu.memory_space<hbm>>, %arg3: memref<512x768xf32, #tpu.memory_space<hbm>>, %arg4: memref<1024x768xf32, #tpu.memory_space<hbm>>, %arg5: memref<1024x768xf32, #tpu.memory_space<hbm>>, %arg6: memref<512xi32, #tpu.memory_space<vmem>>, %arg7: memref<32xi32, #tpu.memory_space<vmem>>, %arg8: memref<32x768xf32, #tpu.memory_space<vmem>>, %arg9: memref<64x768xf32, #tpu.memory_space<vmem>>, %arg10: memref<!tpu.dma_semaphore, #tpu.memory_space<semaphore_mem>>, %arg11: memref<!tpu.dma_semaphore, #tpu.memory_space<semaphore_mem>>, %arg12: memref<!tpu.dma_semaphore, #tpu.memory_space<semaphore_mem>>, %arg13: memref<!tpu.dma_semaphore, #tpu.memory_space<semaphore_mem>>, %arg14: memref<!tpu.dma_semaphore, #tpu.memory_space<semaphore_mem>>, %arg15: memref<!tpu.dma_semaphore, #tpu.memory_space<semaphore_mem>>) attributes {dimension_semantics = [#tpu.dimension_semantics<core_parallel>, #tpu.dimension_semantics<subcore_parallel>], iteration_bounds = array<i64: 1, 16>, scalar_prefetch = 0 : i64, scratch_operands = 10 : i64, tpu.core_type = #tpu.core_type<sc_vector_subcore>, window_params = [{transform_indices = #map}, {transform_indices = #map1}, {transform_indices = #map1}, {transform_indices = #map1}]} {
    %mul3A = arith.constant 32 : i32
    %mul3A_0 = arith.muli %arg1, %mul3A : i32
    %add3A = arith.constant 0 : i32
    %add3A_1 = arith.addi %mul3A_0, %add3A : i32
    %dma_start3A = arith.constant 0 : i32
    %dma_start3A_2 = arith.constant 0 : i32
    %dma_start3A_3 = tpu.memref_slice %arg8[%dma_start3A, %dma_start3A_2] : memref<32x768xf32, #tpu.memory_space<vmem>> -> memref<16x768xf32, #tpu.memory_space<vmem>>
    %dma_start3A_4 = arith.constant 0 : i32
    %dma_start3A_5 = tpu.memref_slice %arg3[%add3A_1, %dma_start3A_4] : memref<512x768xf32, #tpu.memory_space<hbm>> -> memref<16x768xf32, #tpu.memory_space<hbm>>
    %dma_start3A_6 = arith.constant 0 : i32
    %dma_start3A_7 = arith.constant 0 : i32
    %dma_start3A_8 = tpu.memref_slice %arg8[%dma_start3A_6, %dma_start3A_7] : memref<32x768xf32, #tpu.memory_space<vmem>> -> memref<16x768xf32, #tpu.memory_space<vmem>>
    %dma_start3A_9 = arith.constant 0 : i32
    %dma_start3A_10 = tpu.memref_slice %arg3[%add3A_1, %dma_start3A_9] : memref<512x768xf32, #tpu.memory_space<hbm>> -> memref<16x768xf32, #tpu.memory_space<hbm>>
    tpu.enqueue_dma source(%dma_start3A_10 : memref<16x768xf32, #tpu.memory_space<hbm>>) target(%dma_start3A_8 : memref<16x768xf32, #tpu.memory_space<vmem>>) target_semaphore(%arg10 : memref<!tpu.dma_semaphore, #tpu.memory_space<semaphore_mem>>)
    %add3A_11 = arith.constant 16 : i32
    %add3A_12 = arith.addi %mul3A_0, %add3A_11 : i32
    %dma_start3A_13 = arith.constant 16 : i32
    %dma_start3A_14 = arith.constant 0 : i32
    %dma_start3A_15 = tpu.memref_slice %arg8[%dma_start3A_13, %dma_start3A_14] : memref<32x768xf32, #tpu.memory_space<vmem>> -> memref<16x768xf32, #tpu.memory_space<vmem>>
    %dma_start3A_16 = arith.constant 0 : i32
    %dma_start3A_17 = tpu.memref_slice %arg3[%add3A_12, %dma_start3A_16] : memref<512x768xf32, #tpu.memory_space<hbm>> -> memref<16x768xf32, #tpu.memory_space<hbm>>
    %dma_start3A_18 = arith.constant 16 : i32
    %dma_start3A_19 = arith.constant 0 : i32
    %dma_start3A_20 = tpu.memref_slice %arg8[%dma_start3A_18, %dma_start3A_19] : memref<32x768xf32, #tpu.memory_space<vmem>> -> memref<16x768xf32, #tpu.memory_space<vmem>>
    %dma_start3A_21 = arith.constant 0 : i32
    %dma_start3A_22 = tpu.memref_slice %arg3[%add3A_12, %dma_start3A_21] : memref<512x768xf32, #tpu.memory_space<hbm>> -> memref<16x768xf32, #tpu.memory_space<hbm>>
    tpu.enqueue_dma source(%dma_start3A_22 : memref<16x768xf32, #tpu.memory_space<hbm>>) target(%dma_start3A_20 : memref<16x768xf32, #tpu.memory_space<vmem>>) target_semaphore(%arg11 : memref<!tpu.dma_semaphore, #tpu.memory_space<semaphore_mem>>)
    %add3A_23 = arith.constant 512 : i32
    %add3A_24 = arith.addi %add3A_23, %mul3A_0 : i32
    %add3A_25 = arith.constant 0 : i32
    %add3A_26 = arith.addi %add3A_24, %add3A_25 : i32
    %dma_start3A_27 = arith.constant 0 : i32
    %dma_start3A_28 = arith.constant 0 : i32
    %dma_start3A_29 = tpu.memref_slice %arg9[%dma_start3A_27, %dma_start3A_28] : memref<64x768xf32, #tpu.memory_space<vmem>> -> memref<16x768xf32, #tpu.memory_space<vmem>>
    %dma_start3A_30 = arith.constant 0 : i32
    %dma_start3A_31 = tpu.memref_slice %arg4[%add3A_26, %dma_start3A_30] : memref<1024x768xf32, #tpu.memory_space<hbm>> -> memref<16x768xf32, #tpu.memory_space<hbm>>
    %dma_start3A_32 = arith.constant 0 : i32
    %dma_start3A_33 = arith.constant 0 : i32
    %dma_start3A_34 = tpu.memref_slice %arg9[%dma_start3A_32, %dma_start3A_33] : memref<64x768xf32, #tpu.memory_space<vmem>> -> memref<16x768xf32, #tpu.memory_space<vmem>>
    %dma_start3A_35 = arith.constant 0 : i32
    %dma_start3A_36 = tpu.memref_slice %arg4[%add3A_26, %dma_start3A_35] : memref<1024x768xf32, #tpu.memory_space<hbm>> -> memref<16x768xf32, #tpu.memory_space<hbm>>
    tpu.enqueue_dma source(%dma_start3A_36 : memref<16x768xf32, #tpu.memory_space<hbm>>) target(%dma_start3A_34 : memref<16x768xf32, #tpu.memory_space<vmem>>) target_semaphore(%arg12 : memref<!tpu.dma_semaphore, #tpu.memory_space<semaphore_mem>>)
    %add3A_37 = arith.constant 512 : i32
    %add3A_38 = arith.addi %add3A_37, %mul3A_0 : i32
    %add3A_39 = arith.constant 16 : i32
    %add3A_40 = arith.addi %add3A_38, %add3A_39 : i32
    %dma_start3A_41 = arith.constant 16 : i32
    %dma_start3A_42 = arith.constant 0 : i32
    %dma_start3A_43 = tpu.memref_slice %arg9[%dma_start3A_41, %dma_start3A_42] : memref<64x768xf32, #tpu.memory_space<vmem>> -> memref<16x768xf32, #tpu.memory_space<vmem>>
    %dma_start3A_44 = arith.constant 0 : i32
    %dma_start3A_45 = tpu.memref_slice %arg4[%add3A_40, %dma_start3A_44] : memref<1024x768xf32, #tpu.memory_space<hbm>> -> memref<16x768xf32, #tpu.memory_space<hbm>>
    %dma_start3A_46 = arith.constant 16 : i32
    %dma_start3A_47 = arith.constant 0 : i32
    %dma_start3A_48 = tpu.memref_slice %arg9[%dma_start3A_46, %dma_start3A_47] : memref<64x768xf32, #tpu.memory_space<vmem>> -> memref<16x768xf32, #tpu.memory_space<vmem>>
    %dma_start3A_49 = arith.constant 0 : i32
    %dma_start3A_50 = tpu.memref_slice %arg4[%add3A_40, %dma_start3A_49] : memref<1024x768xf32, #tpu.memory_space<hbm>> -> memref<16x768xf32, #tpu.memory_space<hbm>>
    tpu.enqueue_dma source(%dma_start3A_50 : memref<16x768xf32, #tpu.memory_space<hbm>>) target(%dma_start3A_48 : memref<16x768xf32, #tpu.memory_space<vmem>>) target_semaphore(%arg13 : memref<!tpu.dma_semaphore, #tpu.memory_space<semaphore_mem>>)
    tpu.enqueue_dma source(%arg2 : memref<512xi32, #tpu.memory_space<hbm>>) target(%arg6 : memref<512xi32, #tpu.memory_space<vmem>>) target_semaphore(%arg14 : memref<!tpu.dma_semaphore, #tpu.memory_space<semaphore_mem>>)
    %dma_wait3A = arith.constant 0 : i32
    %dma_wait3A_51 = arith.constant 0 : i32
    %dma_wait3A_52 = tpu.memref_slice %arg8[%dma_wait3A, %dma_wait3A_51] : memref<32x768xf32, #tpu.memory_space<vmem>> -> memref<16x768xf32, #tpu.memory_space<vmem>>
    %dma_wait3A_53 = arith.constant 0 : i32
    %dma_wait3A_54 = tpu.memref_slice %arg3[%add3A_1, %dma_wait3A_53] : memref<512x768xf32, #tpu.memory_space<hbm>> -> memref<16x768xf32, #tpu.memory_space<hbm>>
    %dma_wait3A_55 = arith.constant 0 : i32
    %dma_wait3A_56 = arith.constant 0 : i32
    %dma_wait3A_57 = tpu.memref_slice %arg8[%dma_wait3A_55, %dma_wait3A_56] : memref<32x768xf32, #tpu.memory_space<vmem>> -> memref<16x768xf32, #tpu.memory_space<vmem>>
    %dma_wait3A_58 = arith.constant 0 : i32
    %dma_wait3A_59 = tpu.memref_slice %arg3[%add3A_1, %dma_wait3A_58] : memref<512x768xf32, #tpu.memory_space<hbm>> -> memref<16x768xf32, #tpu.memory_space<hbm>>
    tpu.wait_dma2 semaphore(%arg10 : memref<!tpu.dma_semaphore, #tpu.memory_space<semaphore_mem>>) src(%dma_wait3A_59 : memref<16x768xf32, #tpu.memory_space<hbm>>) dst(%dma_wait3A_57 : memref<16x768xf32, #tpu.memory_space<vmem>>)
    %dma_start3A_60 = arith.constant 0 : i32
    %dma_start3A_61 = arith.constant 0 : i32
    %dma_start3A_62 = tpu.memref_slice %arg8[%dma_start3A_60, %dma_start3A_61] : memref<32x768xf32, #tpu.memory_space<vmem>> -> memref<16x768xf32, #tpu.memory_space<vmem>>
    %dma_start3A_63 = arith.constant 0 : i32
    %dma_start3A_64 = tpu.memref_slice %arg5[%mul3A_0, %dma_start3A_63] : memref<1024x768xf32, #tpu.memory_space<hbm>> -> memref<16x768xf32, #tpu.memory_space<hbm>>
    %dma_start3A_65 = arith.constant 0 : i32
    %dma_start3A_66 = tpu.memref_slice %arg5[%mul3A_0, %dma_start3A_65] : memref<1024x768xf32, #tpu.memory_space<hbm>> -> memref<16x768xf32, #tpu.memory_space<hbm>>
    %dma_start3A_67 = arith.constant 0 : i32
    %dma_start3A_68 = arith.constant 0 : i32
    %dma_start3A_69 = tpu.memref_slice %arg8[%dma_start3A_67, %dma_start3A_68] : memref<32x768xf32, #tpu.memory_space<vmem>> -> memref<16x768xf32, #tpu.memory_space<vmem>>
    tpu.enqueue_dma source(%dma_start3A_69 : memref<16x768xf32, #tpu.memory_space<vmem>>) target(%dma_start3A_66 : memref<16x768xf32, #tpu.memory_space<hbm>>) target_semaphore(%arg15 : memref<!tpu.dma_semaphore, #tpu.memory_space<semaphore_mem>>)
    %dma_wait3A_70 = arith.constant 16 : i32
    %dma_wait3A_71 = arith.constant 0 : i32
    %dma_wait3A_72 = tpu.memref_slice %arg8[%dma_wait3A_70, %dma_wait3A_71] : memref<32x768xf32, #tpu.memory_space<vmem>> -> memref<16x768xf32, #tpu.memory_space<vmem>>
    %dma_wait3A_73 = arith.constant 0 : i32
    %dma_wait3A_74 = tpu.memref_slice %arg3[%add3A_12, %dma_wait3A_73] : memref<512x768xf32, #tpu.memory_space<hbm>> -> memref<16x768xf32, #tpu.memory_space<hbm>>
    %dma_wait3A_75 = arith.constant 16 : i32
    %dma_wait3A_76 = arith.constant 0 : i32
    %dma_wait3A_77 = tpu.memref_slice %arg8[%dma_wait3A_75, %dma_wait3A_76] : memref<32x768xf32, #tpu.memory_space<vmem>> -> memref<16x768xf32, #tpu.memory_space<vmem>>
    %dma_wait3A_78 = arith.constant 0 : i32
    %dma_wait3A_79 = tpu.memref_slice %arg3[%add3A_12, %dma_wait3A_78] : memref<512x768xf32, #tpu.memory_space<hbm>> -> memref<16x768xf32, #tpu.memory_space<hbm>>
    tpu.wait_dma2 semaphore(%arg11 : memref<!tpu.dma_semaphore, #tpu.memory_space<semaphore_mem>>) src(%dma_wait3A_79 : memref<16x768xf32, #tpu.memory_space<hbm>>) dst(%dma_wait3A_77 : memref<16x768xf32, #tpu.memory_space<vmem>>)
    %add3A_80 = arith.constant 16 : i32
    %add3A_81 = arith.addi %mul3A_0, %add3A_80 : i32
    %dma_start3A_82 = arith.constant 16 : i32
    %dma_start3A_83 = arith.constant 0 : i32
    %dma_start3A_84 = tpu.memref_slice %arg8[%dma_start3A_82, %dma_start3A_83] : memref<32x768xf32, #tpu.memory_space<vmem>> -> memref<16x768xf32, #tpu.memory_space<vmem>>
    %dma_start3A_85 = arith.constant 0 : i32
    %dma_start3A_86 = tpu.memref_slice %arg5[%add3A_81, %dma_start3A_85] : memref<1024x768xf32, #tpu.memory_space<hbm>> -> memref<16x768xf32, #tpu.memory_space<hbm>>
    %dma_start3A_87 = arith.constant 0 : i32
    %dma_start3A_88 = tpu.memref_slice %arg5[%add3A_81, %dma_start3A_87] : memref<1024x768xf32, #tpu.memory_space<hbm>> -> memref<16x768xf32, #tpu.memory_space<hbm>>
    %dma_start3A_89 = arith.constant 16 : i32
    %dma_start3A_90 = arith.constant 0 : i32
    %dma_start3A_91 = tpu.memref_slice %arg8[%dma_start3A_89, %dma_start3A_90] : memref<32x768xf32, #tpu.memory_space<vmem>> -> memref<16x768xf32, #tpu.memory_space<vmem>>
    tpu.enqueue_dma source(%dma_start3A_91 : memref<16x768xf32, #tpu.memory_space<vmem>>) target(%dma_start3A_88 : memref<16x768xf32, #tpu.memory_space<hbm>>) target_semaphore(%arg15 : memref<!tpu.dma_semaphore, #tpu.memory_space<semaphore_mem>>)
    %dma_wait3A_92 = arith.constant 0 : i32
    %dma_wait3A_93 = arith.constant 0 : i32
    %dma_wait3A_94 = tpu.memref_slice %arg9[%dma_wait3A_92, %dma_wait3A_93] : memref<64x768xf32, #tpu.memory_space<vmem>> -> memref<16x768xf32, #tpu.memory_space<vmem>>
    %dma_wait3A_95 = arith.constant 0 : i32
    %dma_wait3A_96 = tpu.memref_slice %arg4[%add3A_26, %dma_wait3A_95] : memref<1024x768xf32, #tpu.memory_space<hbm>> -> memref<16x768xf32, #tpu.memory_space<hbm>>
    %dma_wait3A_97 = arith.constant 0 : i32
    %dma_wait3A_98 = arith.constant 0 : i32
    %dma_wait3A_99 = tpu.memref_slice %arg9[%dma_wait3A_97, %dma_wait3A_98] : memref<64x768xf32, #tpu.memory_space<vmem>> -> memref<16x768xf32, #tpu.memory_space<vmem>>
    %dma_wait3A_100 = arith.constant 0 : i32
    %dma_wait3A_101 = tpu.memref_slice %arg4[%add3A_26, %dma_wait3A_100] : memref<1024x768xf32, #tpu.memory_space<hbm>> -> memref<16x768xf32, #tpu.memory_space<hbm>>
    tpu.wait_dma2 semaphore(%arg12 : memref<!tpu.dma_semaphore, #tpu.memory_space<semaphore_mem>>) src(%dma_wait3A_101 : memref<16x768xf32, #tpu.memory_space<hbm>>) dst(%dma_wait3A_99 : memref<16x768xf32, #tpu.memory_space<vmem>>)
    %add3A_102 = arith.constant 512 : i32
    %add3A_103 = arith.addi %add3A_102, %mul3A_0 : i32
    %dma_start3A_104 = arith.constant 0 : i32
    %dma_start3A_105 = arith.constant 0 : i32
    %dma_start3A_106 = tpu.memref_slice %arg9[%dma_start3A_104, %dma_start3A_105] : memref<64x768xf32, #tpu.memory_space<vmem>> -> memref<16x768xf32, #tpu.memory_space<vmem>>
    %dma_start3A_107 = arith.constant 0 : i32
    %dma_start3A_108 = tpu.memref_slice %arg5[%add3A_103, %dma_start3A_107] : memref<1024x768xf32, #tpu.memory_space<hbm>> -> memref<16x768xf32, #tpu.memory_space<hbm>>
    %dma_start3A_109 = arith.constant 0 : i32
    %dma_start3A_110 = tpu.memref_slice %arg5[%add3A_103, %dma_start3A_109] : memref<1024x768xf32, #tpu.memory_space<hbm>> -> memref<16x768xf32, #tpu.memory_space<hbm>>
    %dma_start3A_111 = arith.constant 0 : i32
    %dma_start3A_112 = arith.constant 0 : i32
    %dma_start3A_113 = tpu.memref_slice %arg9[%dma_start3A_111, %dma_start3A_112] : memref<64x768xf32, #tpu.memory_space<vmem>> -> memref<16x768xf32, #tpu.memory_space<vmem>>
    tpu.enqueue_dma source(%dma_start3A_113 : memref<16x768xf32, #tpu.memory_space<vmem>>) target(%dma_start3A_110 : memref<16x768xf32, #tpu.memory_space<hbm>>) target_semaphore(%arg15 : memref<!tpu.dma_semaphore, #tpu.memory_space<semaphore_mem>>)
    %dma_wait3A_114 = arith.constant 16 : i32
    %dma_wait3A_115 = arith.constant 0 : i32
    %dma_wait3A_116 = tpu.memref_slice %arg9[%dma_wait3A_114, %dma_wait3A_115] : memref<64x768xf32, #tpu.memory_space<vmem>> -> memref<16x768xf32, #tpu.memory_space<vmem>>
    %dma_wait3A_117 = arith.constant 0 : i32
    %dma_wait3A_118 = tpu.memref_slice %arg4[%add3A_40, %dma_wait3A_117] : memref<1024x768xf32, #tpu.memory_space<hbm>> -> memref<16x768xf32, #tpu.memory_space<hbm>>
    %dma_wait3A_119 = arith.constant 16 : i32
    %dma_wait3A_120 = arith.constant 0 : i32
    %dma_wait3A_121 = tpu.memref_slice %arg9[%dma_wait3A_119, %dma_wait3A_120] : memref<64x768xf32, #tpu.memory_space<vmem>> -> memref<16x768xf32, #tpu.memory_space<vmem>>
    %dma_wait3A_122 = arith.constant 0 : i32
    %dma_wait3A_123 = tpu.memref_slice %arg4[%add3A_40, %dma_wait3A_122] : memref<1024x768xf32, #tpu.memory_space<hbm>> -> memref<16x768xf32, #tpu.memory_space<hbm>>
    tpu.wait_dma2 semaphore(%arg13 : memref<!tpu.dma_semaphore, #tpu.memory_space<semaphore_mem>>) src(%dma_wait3A_123 : memref<16x768xf32, #tpu.memory_space<hbm>>) dst(%dma_wait3A_121 : memref<16x768xf32, #tpu.memory_space<vmem>>)
    %add3A_124 = arith.constant 512 : i32
    %add3A_125 = arith.addi %add3A_124, %mul3A_0 : i32
    %add3A_126 = arith.constant 16 : i32
    %add3A_127 = arith.addi %add3A_125, %add3A_126 : i32
    %dma_start3A_128 = arith.constant 16 : i32
    %dma_start3A_129 = arith.constant 0 : i32
    %dma_start3A_130 = tpu.memref_slice %arg9[%dma_start3A_128, %dma_start3A_129] : memref<64x768xf32, #tpu.memory_space<vmem>> -> memref<16x768xf32, #tpu.memory_space<vmem>>
    %dma_start3A_131 = arith.constant 0 : i32
    %dma_start3A_132 = tpu.memref_slice %arg5[%add3A_127, %dma_start3A_131] : memref<1024x768xf32, #tpu.memory_space<hbm>> -> memref<16x768xf32, #tpu.memory_space<hbm>>
    %dma_start3A_133 = arith.constant 0 : i32
    %dma_start3A_134 = tpu.memref_slice %arg5[%add3A_127, %dma_start3A_133] : memref<1024x768xf32, #tpu.memory_space<hbm>> -> memref<16x768xf32, #tpu.memory_space<hbm>>
    %dma_start3A_135 = arith.constant 16 : i32
    %dma_start3A_136 = arith.constant 0 : i32
    %dma_start3A_137 = tpu.memref_slice %arg9[%dma_start3A_135, %dma_start3A_136] : memref<64x768xf32, #tpu.memory_space<vmem>> -> memref<16x768xf32, #tpu.memory_space<vmem>>
    tpu.enqueue_dma source(%dma_start3A_137 : memref<16x768xf32, #tpu.memory_space<vmem>>) target(%dma_start3A_134 : memref<16x768xf32, #tpu.memory_space<hbm>>) target_semaphore(%arg15 : memref<!tpu.dma_semaphore, #tpu.memory_space<semaphore_mem>>)
    tpu.wait_dma2 semaphore(%arg14 : memref<!tpu.dma_semaphore, #tpu.memory_space<semaphore_mem>>) src(%arg2 : memref<512xi32, #tpu.memory_space<hbm>>) dst(%arg6 : memref<512xi32, #tpu.memory_space<vmem>>)
    %broadcast_in_dim3A = arith.constant 0 : i32
    %broadcast_in_dim3A_138 = vector.broadcast %broadcast_in_dim3A : i32 to vector<16xi32>
    %iota3A = tpu.iota {dimensions = array<i32: 0>} : vector<16xi32>
    %get3A = arith.constant 0 : index
    %get3A_139 = tpu.vector_load %arg6[%get3A] {strides = array<i32>} : memref<512xi32, #tpu.memory_space<vmem>>, vector<16xi32>,
    %get3A_140 = vector.shape_cast %get3A_139 : vector<16xi32> to vector<16xi32>
    %add3A_141 = arith.constant 0 : i32
    %add3A_142 = vector.broadcast %add3A_141 : i32 to vector<16xi32>
    %add3A_143 = arith.addi %iota3A, %add3A_142 : vector<16xi32>
    %xor3A = arith.xori %get3A_140, %add3A_143 : vector<16xi32>
    %or3A = arith.ori %broadcast_in_dim3A_138, %xor3A : vector<16xi32>
    %get3A_144 = arith.constant 16 : index
    %get3A_145 = tpu.vector_load %arg6[%get3A_144] {strides = array<i32>} : memref<512xi32, #tpu.memory_space<vmem>>, vector<16xi32>,
    %get3A_146 = vector.shape_cast %get3A_145 : vector<16xi32> to vector<16xi32>
    %add3A_147 = arith.constant 16 : i32
    %add3A_148 = vector.broadcast %add3A_147 : i32 to vector<16xi32>
    %add3A_149 = arith.addi %iota3A, %add3A_148 : vector<16xi32>
    %xor3A_150 = arith.xori %get3A_146, %add3A_149 : vector<16xi32>
    %or3A_151 = arith.ori %or3A, %xor3A_150 : vector<16xi32>
    %get3A_152 = arith.constant 32 : index
    %get3A_153 = tpu.vector_load %arg6[%get3A_152] {strides = array<i32>} : memref<512xi32, #tpu.memory_space<vmem>>, vector<16xi32>,
    %get3A_154 = vector.shape_cast %get3A_153 : vector<16xi32> to vector<16xi32>
    %add3A_155 = arith.constant 32 : i32
    %add3A_156 = vector.broadcast %add3A_155 : i32 to vector<16xi32>
    %add3A_157 = arith.addi %iota3A, %add3A_156 : vector<16xi32>
    %xor3A_158 = arith.xori %get3A_154, %add3A_157 : vector<16xi32>
    %or3A_159 = arith.ori %or3A_151, %xor3A_158 : vector<16xi32>
    %get3A_160 = arith.constant 48 : index
    %get3A_161 = tpu.vector_load %arg6[%get3A_160] {strides = array<i32>} : memref<512xi32, #tpu.memory_space<vmem>>, vector<16xi32>,
    %get3A_162 = vector.shape_cast %get3A_161 : vector<16xi32> to vector<16xi32>
    %add3A_163 = arith.constant 48 : i32
    %add3A_164 = vector.broadcast %add3A_163 : i32 to vector<16xi32>
    %add3A_165 = arith.addi %iota3A, %add3A_164 : vector<16xi32>
    %xor3A_166 = arith.xori %get3A_162, %add3A_165 : vector<16xi32>
    %or3A_167 = arith.ori %or3A_159, %xor3A_166 : vector<16xi32>
    %get3A_168 = arith.constant 64 : index
    %get3A_169 = tpu.vector_load %arg6[%get3A_168] {strides = array<i32>} : memref<512xi32, #tpu.memory_space<vmem>>, vector<16xi32>,
    %get3A_170 = vector.shape_cast %get3A_169 : vector<16xi32> to vector<16xi32>
    %add3A_171 = arith.constant 64 : i32
    %add3A_172 = vector.broadcast %add3A_171 : i32 to vector<16xi32>
    %add3A_173 = arith.addi %iota3A, %add3A_172 : vector<16xi32>
    %xor3A_174 = arith.xori %get3A_170, %add3A_173 : vector<16xi32>
    %or3A_175 = arith.ori %or3A_167, %xor3A_174 : vector<16xi32>
    %get3A_176 = arith.constant 80 : index
    %get3A_177 = tpu.vector_load %arg6[%get3A_176] {strides = array<i32>} : memref<512xi32, #tpu.memory_space<vmem>>, vector<16xi32>,
    %get3A_178 = vector.shape_cast %get3A_177 : vector<16xi32> to vector<16xi32>
    %add3A_179 = arith.constant 80 : i32
    %add3A_180 = vector.broadcast %add3A_179 : i32 to vector<16xi32>
    %add3A_181 = arith.addi %iota3A, %add3A_180 : vector<16xi32>
    %xor3A_182 = arith.xori %get3A_178, %add3A_181 : vector<16xi32>
    %or3A_183 = arith.ori %or3A_175, %xor3A_182 : vector<16xi32>
    %get3A_184 = arith.constant 96 : index
    %get3A_185 = tpu.vector_load %arg6[%get3A_184] {strides = array<i32>} : memref<512xi32, #tpu.memory_space<vmem>>, vector<16xi32>,
    %get3A_186 = vector.shape_cast %get3A_185 : vector<16xi32> to vector<16xi32>
    %add3A_187 = arith.constant 96 : i32
    %add3A_188 = vector.broadcast %add3A_187 : i32 to vector<16xi32>
    %add3A_189 = arith.addi %iota3A, %add3A_188 : vector<16xi32>
    %xor3A_190 = arith.xori %get3A_186, %add3A_189 : vector<16xi32>
    %or3A_191 = arith.ori %or3A_183, %xor3A_190 : vector<16xi32>
    %get3A_192 = arith.constant 112 : index
    %get3A_193 = tpu.vector_load %arg6[%get3A_192] {strides = array<i32>} : memref<512xi32, #tpu.memory_space<vmem>>, vector<16xi32>,
    %get3A_194 = vector.shape_cast %get3A_193 : vector<16xi32> to vector<16xi32>
    %add3A_195 = arith.constant 112 : i32
    %add3A_196 = vector.broadcast %add3A_195 : i32 to vector<16xi32>
    %add3A_197 = arith.addi %iota3A, %add3A_196 : vector<16xi32>
    %xor3A_198 = arith.xori %get3A_194, %add3A_197 : vector<16xi32>
    %or3A_199 = arith.ori %or3A_191, %xor3A_198 : vector<16xi32>
    %get3A_200 = arith.constant 128 : index
    %get3A_201 = tpu.vector_load %arg6[%get3A_200] {strides = array<i32>} : memref<512xi32, #tpu.memory_space<vmem>>, vector<16xi32>,
    %get3A_202 = vector.shape_cast %get3A_201 : vector<16xi32> to vector<16xi32>
    %add3A_203 = arith.constant 128 : i32
    %add3A_204 = vector.broadcast %add3A_203 : i32 to vector<16xi32>
    %add3A_205 = arith.addi %iota3A, %add3A_204 : vector<16xi32>
    %xor3A_206 = arith.xori %get3A_202, %add3A_205 : vector<16xi32>
    %or3A_207 = arith.ori %or3A_199, %xor3A_206 : vector<16xi32>
    %get3A_208 = arith.constant 144 : index
    %get3A_209 = tpu.vector_load %arg6[%get3A_208] {strides = array<i32>} : memref<512xi32, #tpu.memory_space<vmem>>, vector<16xi32>,
    %get3A_210 = vector.shape_cast %get3A_209 : vector<16xi32> to vector<16xi32>
    %add3A_211 = arith.constant 144 : i32
    %add3A_212 = vector.broadcast %add3A_211 : i32 to vector<16xi32>
    %add3A_213 = arith.addi %iota3A, %add3A_212 : vector<16xi32>
    %xor3A_214 = arith.xori %get3A_210, %add3A_213 : vector<16xi32>
    %or3A_215 = arith.ori %or3A_207, %xor3A_214 : vector<16xi32>
    %get3A_216 = arith.constant 160 : index
    %get3A_217 = tpu.vector_load %arg6[%get3A_216] {strides = array<i32>} : memref<512xi32, #tpu.memory_space<vmem>>, vector<16xi32>,
    %get3A_218 = vector.shape_cast %get3A_217 : vector<16xi32> to vector<16xi32>
    %add3A_219 = arith.constant 160 : i32
    %add3A_220 = vector.broadcast %add3A_219 : i32 to vector<16xi32>
    %add3A_221 = arith.addi %iota3A, %add3A_220 : vector<16xi32>
    %xor3A_222 = arith.xori %get3A_218, %add3A_221 : vector<16xi32>
    %or3A_223 = arith.ori %or3A_215, %xor3A_222 : vector<16xi32>
    %get3A_224 = arith.constant 176 : index
    %get3A_225 = tpu.vector_load %arg6[%get3A_224] {strides = array<i32>} : memref<512xi32, #tpu.memory_space<vmem>>, vector<16xi32>,
    %get3A_226 = vector.shape_cast %get3A_225 : vector<16xi32> to vector<16xi32>
    %add3A_227 = arith.constant 176 : i32
    %add3A_228 = vector.broadcast %add3A_227 : i32 to vector<16xi32>
    %add3A_229 = arith.addi %iota3A, %add3A_228 : vector<16xi32>
    %xor3A_230 = arith.xori %get3A_226, %add3A_229 : vector<16xi32>
    %or3A_231 = arith.ori %or3A_223, %xor3A_230 : vector<16xi32>
    %get3A_232 = arith.constant 192 : index
    %get3A_233 = tpu.vector_load %arg6[%get3A_232] {strides = array<i32>} : memref<512xi32, #tpu.memory_space<vmem>>, vector<16xi32>,
    %get3A_234 = vector.shape_cast %get3A_233 : vector<16xi32> to vector<16xi32>
    %add3A_235 = arith.constant 192 : i32
    %add3A_236 = vector.broadcast %add3A_235 : i32 to vector<16xi32>
    %add3A_237 = arith.addi %iota3A, %add3A_236 : vector<16xi32>
    %xor3A_238 = arith.xori %get3A_234, %add3A_237 : vector<16xi32>
    %or3A_239 = arith.ori %or3A_231, %xor3A_238 : vector<16xi32>
    %get3A_240 = arith.constant 208 : index
    %get3A_241 = tpu.vector_load %arg6[%get3A_240] {strides = array<i32>} : memref<512xi32, #tpu.memory_space<vmem>>, vector<16xi32>,
    %get3A_242 = vector.shape_cast %get3A_241 : vector<16xi32> to vector<16xi32>
    %add3A_243 = arith.constant 208 : i32
    %add3A_244 = vector.broadcast %add3A_243 : i32 to vector<16xi32>
    %add3A_245 = arith.addi %iota3A, %add3A_244 : vector<16xi32>
    %xor3A_246 = arith.xori %get3A_242, %add3A_245 : vector<16xi32>
    %or3A_247 = arith.ori %or3A_239, %xor3A_246 : vector<16xi32>
    %get3A_248 = arith.constant 224 : index
    %get3A_249 = tpu.vector_load %arg6[%get3A_248] {strides = array<i32>} : memref<512xi32, #tpu.memory_space<vmem>>, vector<16xi32>,
    %get3A_250 = vector.shape_cast %get3A_249 : vector<16xi32> to vector<16xi32>
    %add3A_251 = arith.constant 224 : i32
    %add3A_252 = vector.broadcast %add3A_251 : i32 to vector<16xi32>
    %add3A_253 = arith.addi %iota3A, %add3A_252 : vector<16xi32>
    %xor3A_254 = arith.xori %get3A_250, %add3A_253 : vector<16xi32>
    %or3A_255 = arith.ori %or3A_247, %xor3A_254 : vector<16xi32>
    %get3A_256 = arith.constant 240 : index
    %get3A_257 = tpu.vector_load %arg6[%get3A_256] {strides = array<i32>} : memref<512xi32, #tpu.memory_space<vmem>>, vector<16xi32>,
    %get3A_258 = vector.shape_cast %get3A_257 : vector<16xi32> to vector<16xi32>
    %add3A_259 = arith.constant 240 : i32
    %add3A_260 = vector.broadcast %add3A_259 : i32 to vector<16xi32>
    %add3A_261 = arith.addi %iota3A, %add3A_260 : vector<16xi32>
    %xor3A_262 = arith.xori %get3A_258, %add3A_261 : vector<16xi32>
    %or3A_263 = arith.ori %or3A_255, %xor3A_262 : vector<16xi32>
    %get3A_264 = arith.constant 256 : index
    %get3A_265 = tpu.vector_load %arg6[%get3A_264] {strides = array<i32>} : memref<512xi32, #tpu.memory_space<vmem>>, vector<16xi32>,
    %get3A_266 = vector.shape_cast %get3A_265 : vector<16xi32> to vector<16xi32>
    %add3A_267 = arith.constant 256 : i32
    %add3A_268 = vector.broadcast %add3A_267 : i32 to vector<16xi32>
    %add3A_269 = arith.addi %iota3A, %add3A_268 : vector<16xi32>
    %xor3A_270 = arith.xori %get3A_266, %add3A_269 : vector<16xi32>
    %or3A_271 = arith.ori %or3A_263, %xor3A_270 : vector<16xi32>
    %get3A_272 = arith.constant 272 : index
    %get3A_273 = tpu.vector_load %arg6[%get3A_272] {strides = array<i32>} : memref<512xi32, #tpu.memory_space<vmem>>, vector<16xi32>,
    %get3A_274 = vector.shape_cast %get3A_273 : vector<16xi32> to vector<16xi32>
    %add3A_275 = arith.constant 272 : i32
    %add3A_276 = vector.broadcast %add3A_275 : i32 to vector<16xi32>
    %add3A_277 = arith.addi %iota3A, %add3A_276 : vector<16xi32>
    %xor3A_278 = arith.xori %get3A_274, %add3A_277 : vector<16xi32>
    %or3A_279 = arith.ori %or3A_271, %xor3A_278 : vector<16xi32>
    %get3A_280 = arith.constant 288 : index
    %get3A_281 = tpu.vector_load %arg6[%get3A_280] {strides = array<i32>} : memref<512xi32, #tpu.memory_space<vmem>>, vector<16xi32>,
    %get3A_282 = vector.shape_cast %get3A_281 : vector<16xi32> to vector<16xi32>
    %add3A_283 = arith.constant 288 : i32
    %add3A_284 = vector.broadcast %add3A_283 : i32 to vector<16xi32>
    %add3A_285 = arith.addi %iota3A, %add3A_284 : vector<16xi32>
    %xor3A_286 = arith.xori %get3A_282, %add3A_285 : vector<16xi32>
    %or3A_287 = arith.ori %or3A_279, %xor3A_286 : vector<16xi32>
    %get3A_288 = arith.constant 304 : index
    %get3A_289 = tpu.vector_load %arg6[%get3A_288] {strides = array<i32>} : memref<512xi32, #tpu.memory_space<vmem>>, vector<16xi32>,
    %get3A_290 = vector.shape_cast %get3A_289 : vector<16xi32> to vector<16xi32>
    %add3A_291 = arith.constant 304 : i32
    %add3A_292 = vector.broadcast %add3A_291 : i32 to vector<16xi32>
    %add3A_293 = arith.addi %iota3A, %add3A_292 : vector<16xi32>
    %xor3A_294 = arith.xori %get3A_290, %add3A_293 : vector<16xi32>
    %or3A_295 = arith.ori %or3A_287, %xor3A_294 : vector<16xi32>
    %get3A_296 = arith.constant 320 : index
    %get3A_297 = tpu.vector_load %arg6[%get3A_296] {strides = array<i32>} : memref<512xi32, #tpu.memory_space<vmem>>, vector<16xi32>,
    %get3A_298 = vector.shape_cast %get3A_297 : vector<16xi32> to vector<16xi32>
    %add3A_299 = arith.constant 320 : i32
    %add3A_300 = vector.broadcast %add3A_299 : i32 to vector<16xi32>
    %add3A_301 = arith.addi %iota3A, %add3A_300 : vector<16xi32>
    %xor3A_302 = arith.xori %get3A_298, %add3A_301 : vector<16xi32>
    %or3A_303 = arith.ori %or3A_295, %xor3A_302 : vector<16xi32>
    %get3A_304 = arith.constant 336 : index
    %get3A_305 = tpu.vector_load %arg6[%get3A_304] {strides = array<i32>} : memref<512xi32, #tpu.memory_space<vmem>>, vector<16xi32>,
    %get3A_306 = vector.shape_cast %get3A_305 : vector<16xi32> to vector<16xi32>
    %add3A_307 = arith.constant 336 : i32
    %add3A_308 = vector.broadcast %add3A_307 : i32 to vector<16xi32>
    %add3A_309 = arith.addi %iota3A, %add3A_308 : vector<16xi32>
    %xor3A_310 = arith.xori %get3A_306, %add3A_309 : vector<16xi32>
    %or3A_311 = arith.ori %or3A_303, %xor3A_310 : vector<16xi32>
    %get3A_312 = arith.constant 352 : index
    %get3A_313 = tpu.vector_load %arg6[%get3A_312] {strides = array<i32>} : memref<512xi32, #tpu.memory_space<vmem>>, vector<16xi32>,
    %get3A_314 = vector.shape_cast %get3A_313 : vector<16xi32> to vector<16xi32>
    %add3A_315 = arith.constant 352 : i32
    %add3A_316 = vector.broadcast %add3A_315 : i32 to vector<16xi32>
    %add3A_317 = arith.addi %iota3A, %add3A_316 : vector<16xi32>
    %xor3A_318 = arith.xori %get3A_314, %add3A_317 : vector<16xi32>
    %or3A_319 = arith.ori %or3A_311, %xor3A_318 : vector<16xi32>
    %get3A_320 = arith.constant 368 : index
    %get3A_321 = tpu.vector_load %arg6[%get3A_320] {strides = array<i32>} : memref<512xi32, #tpu.memory_space<vmem>>, vector<16xi32>,
    %get3A_322 = vector.shape_cast %get3A_321 : vector<16xi32> to vector<16xi32>
    %add3A_323 = arith.constant 368 : i32
    %add3A_324 = vector.broadcast %add3A_323 : i32 to vector<16xi32>
    %add3A_325 = arith.addi %iota3A, %add3A_324 : vector<16xi32>
    %xor3A_326 = arith.xori %get3A_322, %add3A_325 : vector<16xi32>
    %or3A_327 = arith.ori %or3A_319, %xor3A_326 : vector<16xi32>
    %get3A_328 = arith.constant 384 : index
    %get3A_329 = tpu.vector_load %arg6[%get3A_328] {strides = array<i32>} : memref<512xi32, #tpu.memory_space<vmem>>, vector<16xi32>,
    %get3A_330 = vector.shape_cast %get3A_329 : vector<16xi32> to vector<16xi32>
    %add3A_331 = arith.constant 384 : i32
    %add3A_332 = vector.broadcast %add3A_331 : i32 to vector<16xi32>
    %add3A_333 = arith.addi %iota3A, %add3A_332 : vector<16xi32>
    %xor3A_334 = arith.xori %get3A_330, %add3A_333 : vector<16xi32>
    %or3A_335 = arith.ori %or3A_327, %xor3A_334 : vector<16xi32>
    %get3A_336 = arith.constant 400 : index
    %get3A_337 = tpu.vector_load %arg6[%get3A_336] {strides = array<i32>} : memref<512xi32, #tpu.memory_space<vmem>>, vector<16xi32>,
    %get3A_338 = vector.shape_cast %get3A_337 : vector<16xi32> to vector<16xi32>
    %add3A_339 = arith.constant 400 : i32
    %add3A_340 = vector.broadcast %add3A_339 : i32 to vector<16xi32>
    %add3A_341 = arith.addi %iota3A, %add3A_340 : vector<16xi32>
    %xor3A_342 = arith.xori %get3A_338, %add3A_341 : vector<16xi32>
    %or3A_343 = arith.ori %or3A_335, %xor3A_342 : vector<16xi32>
    %get3A_344 = arith.constant 416 : index
    %get3A_345 = tpu.vector_load %arg6[%get3A_344] {strides = array<i32>} : memref<512xi32, #tpu.memory_space<vmem>>, vector<16xi32>,
    %get3A_346 = vector.shape_cast %get3A_345 : vector<16xi32> to vector<16xi32>
    %add3A_347 = arith.constant 416 : i32
    %add3A_348 = vector.broadcast %add3A_347 : i32 to vector<16xi32>
    %add3A_349 = arith.addi %iota3A, %add3A_348 : vector<16xi32>
    %xor3A_350 = arith.xori %get3A_346, %add3A_349 : vector<16xi32>
    %or3A_351 = arith.ori %or3A_343, %xor3A_350 : vector<16xi32>
    %get3A_352 = arith.constant 432 : index
    %get3A_353 = tpu.vector_load %arg6[%get3A_352] {strides = array<i32>} : memref<512xi32, #tpu.memory_space<vmem>>, vector<16xi32>,
    %get3A_354 = vector.shape_cast %get3A_353 : vector<16xi32> to vector<16xi32>
    %add3A_355 = arith.constant 432 : i32
    %add3A_356 = vector.broadcast %add3A_355 : i32 to vector<16xi32>
    %add3A_357 = arith.addi %iota3A, %add3A_356 : vector<16xi32>
    %xor3A_358 = arith.xori %get3A_354, %add3A_357 : vector<16xi32>
    %or3A_359 = arith.ori %or3A_351, %xor3A_358 : vector<16xi32>
    %get3A_360 = arith.constant 448 : index
    %get3A_361 = tpu.vector_load %arg6[%get3A_360] {strides = array<i32>} : memref<512xi32, #tpu.memory_space<vmem>>, vector<16xi32>,
    %get3A_362 = vector.shape_cast %get3A_361 : vector<16xi32> to vector<16xi32>
    %add3A_363 = arith.constant 448 : i32
    %add3A_364 = vector.broadcast %add3A_363 : i32 to vector<16xi32>
    %add3A_365 = arith.addi %iota3A, %add3A_364 : vector<16xi32>
    %xor3A_366 = arith.xori %get3A_362, %add3A_365 : vector<16xi32>
    %or3A_367 = arith.ori %or3A_359, %xor3A_366 : vector<16xi32>
    %get3A_368 = arith.constant 464 : index
    %get3A_369 = tpu.vector_load %arg6[%get3A_368] {strides = array<i32>} : memref<512xi32, #tpu.memory_space<vmem>>, vector<16xi32>,
    %get3A_370 = vector.shape_cast %get3A_369 : vector<16xi32> to vector<16xi32>
    %add3A_371 = arith.constant 464 : i32
    %add3A_372 = vector.broadcast %add3A_371 : i32 to vector<16xi32>
    %add3A_373 = arith.addi %iota3A, %add3A_372 : vector<16xi32>
    %xor3A_374 = arith.xori %get3A_370, %add3A_373 : vector<16xi32>
    %or3A_375 = arith.ori %or3A_367, %xor3A_374 : vector<16xi32>
    %get3A_376 = arith.constant 480 : index
    %get3A_377 = tpu.vector_load %arg6[%get3A_376] {strides = array<i32>} : memref<512xi32, #tpu.memory_space<vmem>>, vector<16xi32>,
    %get3A_378 = vector.shape_cast %get3A_377 : vector<16xi32> to vector<16xi32>
    %add3A_379 = arith.constant 480 : i32
    %add3A_380 = vector.broadcast %add3A_379 : i32 to vector<16xi32>
    %add3A_381 = arith.addi %iota3A, %add3A_380 : vector<16xi32>
    %xor3A_382 = arith.xori %get3A_378, %add3A_381 : vector<16xi32>
    %or3A_383 = arith.ori %or3A_375, %xor3A_382 : vector<16xi32>
    %get3A_384 = arith.constant 496 : index
    %get3A_385 = tpu.vector_load %arg6[%get3A_384] {strides = array<i32>} : memref<512xi32, #tpu.memory_space<vmem>>, vector<16xi32>,
    %get3A_386 = vector.shape_cast %get3A_385 : vector<16xi32> to vector<16xi32>
    %add3A_387 = arith.constant 496 : i32
    %add3A_388 = vector.broadcast %add3A_387 : i32 to vector<16xi32>
    %add3A_389 = arith.addi %iota3A, %add3A_388 : vector<16xi32>
    %xor3A_390 = arith.xori %get3A_386, %add3A_389 : vector<16xi32>
    %or3A_391 = arith.ori %or3A_383, %xor3A_390 : vector<16xi32>
    %slice3A = vector.extract_strided_slice %or3A_391 {offsets = [0], sizes = [1], strides = [1]} : vector<16xi32> to vector<1xi32>
    %squeeze3A = vector.extract %slice3A[0] : i32 from vector<1xi32>
    %or3A_392 = arith.constant 0 : i32
    %or3A_393 = arith.ori %or3A_392, %squeeze3A : i32
    %slice3A_394 = vector.extract_strided_slice %or3A_391 {offsets = [1], sizes = [1], strides = [1]} : vector<16xi32> to vector<1xi32>
    %squeeze3A_395 = vector.extract %slice3A_394[0] : i32 from vector<1xi32>
    %or3A_396 = arith.ori %or3A_393, %squeeze3A_395 : i32
    %slice3A_397 = vector.extract_strided_slice %or3A_391 {offsets = [2], sizes = [1], strides = [1]} : vector<16xi32> to vector<1xi32>
    %squeeze3A_398 = vector.extract %slice3A_397[0] : i32 from vector<1xi32>
    %or3A_399 = arith.ori %or3A_396, %squeeze3A_398 : i32
    %slice3A_400 = vector.extract_strided_slice %or3A_391 {offsets = [3], sizes = [1], strides = [1]} : vector<16xi32> to vector<1xi32>
    %squeeze3A_401 = vector.extract %slice3A_400[0] : i32 from vector<1xi32>
    %or3A_402 = arith.ori %or3A_399, %squeeze3A_401 : i32
    %slice3A_403 = vector.extract_strided_slice %or3A_391 {offsets = [4], sizes = [1], strides = [1]} : vector<16xi32> to vector<1xi32>
    %squeeze3A_404 = vector.extract %slice3A_403[0] : i32 from vector<1xi32>
    %or3A_405 = arith.ori %or3A_402, %squeeze3A_404 : i32
    %slice3A_406 = vector.extract_strided_slice %or3A_391 {offsets = [5], sizes = [1], strides = [1]} : vector<16xi32> to vector<1xi32>
    %squeeze3A_407 = vector.extract %slice3A_406[0] : i32 from vector<1xi32>
    %or3A_408 = arith.ori %or3A_405, %squeeze3A_407 : i32
    %slice3A_409 = vector.extract_strided_slice %or3A_391 {offsets = [6], sizes = [1], strides = [1]} : vector<16xi32> to vector<1xi32>
    %squeeze3A_410 = vector.extract %slice3A_409[0] : i32 from vector<1xi32>
    %or3A_411 = arith.ori %or3A_408, %squeeze3A_410 : i32
    %slice3A_412 = vector.extract_strided_slice %or3A_391 {offsets = [7], sizes = [1], strides = [1]} : vector<16xi32> to vector<1xi32>
    %squeeze3A_413 = vector.extract %slice3A_412[0] : i32 from vector<1xi32>
    %or3A_414 = arith.ori %or3A_411, %squeeze3A_413 : i32
    %slice3A_415 = vector.extract_strided_slice %or3A_391 {offsets = [8], sizes = [1], strides = [1]} : vector<16xi32> to vector<1xi32>
    %squeeze3A_416 = vector.extract %slice3A_415[0] : i32 from vector<1xi32>
    %or3A_417 = arith.ori %or3A_414, %squeeze3A_416 : i32
    %slice3A_418 = vector.extract_strided_slice %or3A_391 {offsets = [9], sizes = [1], strides = [1]} : vector<16xi32> to vector<1xi32>
    %squeeze3A_419 = vector.extract %slice3A_418[0] : i32 from vector<1xi32>
    %or3A_420 = arith.ori %or3A_417, %squeeze3A_419 : i32
    %slice3A_421 = vector.extract_strided_slice %or3A_391 {offsets = [10], sizes = [1], strides = [1]} : vector<16xi32> to vector<1xi32>
    %squeeze3A_422 = vector.extract %slice3A_421[0] : i32 from vector<1xi32>
    %or3A_423 = arith.ori %or3A_420, %squeeze3A_422 : i32
    %slice3A_424 = vector.extract_strided_slice %or3A_391 {offsets = [11], sizes = [1], strides = [1]} : vector<16xi32> to vector<1xi32>
    %squeeze3A_425 = vector.extract %slice3A_424[0] : i32 from vector<1xi32>
    %or3A_426 = arith.ori %or3A_423, %squeeze3A_425 : i32
    %slice3A_427 = vector.extract_strided_slice %or3A_391 {offsets = [12], sizes = [1], strides = [1]} : vector<16xi32> to vector<1xi32>
    %squeeze3A_428 = vector.extract %slice3A_427[0] : i32 from vector<1xi32>
    %or3A_429 = arith.ori %or3A_426, %squeeze3A_428 : i32
    %slice3A_430 = vector.extract_strided_slice %or3A_391 {offsets = [13], sizes = [1], strides = [1]} : vector<16xi32> to vector<1xi32>
    %squeeze3A_431 = vector.extract %slice3A_430[0] : i32 from vector<1xi32>
    %or3A_432 = arith.ori %or3A_429, %squeeze3A_431 : i32
    %slice3A_433 = vector.extract_strided_slice %or3A_391 {offsets = [14], sizes = [1], strides = [1]} : vector<16xi32> to vector<1xi32>
    %squeeze3A_434 = vector.extract %slice3A_433[0] : i32 from vector<1xi32>
    %or3A_435 = arith.ori %or3A_432, %squeeze3A_434 : i32
    %slice3A_436 = vector.extract_strided_slice %or3A_391 {offsets = [15], sizes = [1], strides = [1]} : vector<16xi32> to vector<1xi32>
    %squeeze3A_437 = vector.extract %slice3A_436[0] : i32 from vector<1xi32>
    %or3A_438 = arith.ori %or3A_435, %squeeze3A_437 : i32
    %eq3A = arith.constant 0 : i32
    %eq3A_439 = arith.cmpi eq, %or3A_438, %eq3A : i32
    %dma_wait3A_440 = arith.constant 0 : i32
    %dma_wait3A_441 = arith.constant 0 : i32
    %dma_wait3A_442 = tpu.memref_slice %arg8[%dma_wait3A_440, %dma_wait3A_441] : memref<32x768xf32, #tpu.memory_space<vmem>> -> memref<16x768xf32, #tpu.memory_space<vmem>>
    %dma_wait3A_443 = arith.constant 0 : i32
    %dma_wait3A_444 = tpu.memref_slice %arg5[%mul3A_0, %dma_wait3A_443] : memref<1024x768xf32, #tpu.memory_space<hbm>> -> memref<16x768xf32, #tpu.memory_space<hbm>>
    %dma_wait3A_445 = arith.constant 0 : i32
    %dma_wait3A_446 = tpu.memref_slice %arg5[%mul3A_0, %dma_wait3A_445] : memref<1024x768xf32, #tpu.memory_space<hbm>> -> memref<16x768xf32, #tpu.memory_space<hbm>>
    %dma_wait3A_447 = arith.constant 0 : i32
    %dma_wait3A_448 = arith.constant 0 : i32
    %dma_wait3A_449 = tpu.memref_slice %arg8[%dma_wait3A_447, %dma_wait3A_448] : memref<32x768xf32, #tpu.memory_space<vmem>> -> memref<16x768xf32, #tpu.memory_space<vmem>>
    tpu.wait_dma2 semaphore(%arg15 : memref<!tpu.dma_semaphore, #tpu.memory_space<semaphore_mem>>) src(%dma_wait3A_449 : memref<16x768xf32, #tpu.memory_space<vmem>>) dst(%dma_wait3A_446 : memref<16x768xf32, #tpu.memory_space<hbm>>)
    %dma_wait3A_450 = arith.constant 16 : i32
    %dma_wait3A_451 = arith.constant 0 : i32
    %dma_wait3A_452 = tpu.memref_slice %arg8[%dma_wait3A_450, %dma_wait3A_451] : memref<32x768xf32, #tpu.memory_space<vmem>> -> memref<16x768xf32, #tpu.memory_space<vmem>>
    %dma_wait3A_453 = arith.constant 0 : i32
    %dma_wait3A_454 = tpu.memref_slice %arg5[%add3A_81, %dma_wait3A_453] : memref<1024x768xf32, #tpu.memory_space<hbm>> -> memref<16x768xf32, #tpu.memory_space<hbm>>
    %dma_wait3A_455 = arith.constant 0 : i32
    %dma_wait3A_456 = tpu.memref_slice %arg5[%add3A_81, %dma_wait3A_455] : memref<1024x768xf32, #tpu.memory_space<hbm>> -> memref<16x768xf32, #tpu.memory_space<hbm>>
    %dma_wait3A_457 = arith.constant 16 : i32
    %dma_wait3A_458 = arith.constant 0 : i32
    %dma_wait3A_459 = tpu.memref_slice %arg8[%dma_wait3A_457, %dma_wait3A_458] : memref<32x768xf32, #tpu.memory_space<vmem>> -> memref<16x768xf32, #tpu.memory_space<vmem>>
    tpu.wait_dma2 semaphore(%arg15 : memref<!tpu.dma_semaphore, #tpu.memory_space<semaphore_mem>>) src(%dma_wait3A_459 : memref<16x768xf32, #tpu.memory_space<vmem>>) dst(%dma_wait3A_456 : memref<16x768xf32, #tpu.memory_space<hbm>>)
    %dma_wait3A_460 = arith.constant 0 : i32
    %dma_wait3A_461 = arith.constant 0 : i32
    %dma_wait3A_462 = tpu.memref_slice %arg9[%dma_wait3A_460, %dma_wait3A_461] : memref<64x768xf32, #tpu.memory_space<vmem>> -> memref<16x768xf32, #tpu.memory_space<vmem>>
    %dma_wait3A_463 = arith.constant 0 : i32
    %dma_wait3A_464 = tpu.memref_slice %arg5[%add3A_103, %dma_wait3A_463] : memref<1024x768xf32, #tpu.memory_space<hbm>> -> memref<16x768xf32, #tpu.memory_space<hbm>>
    %dma_wait3A_465 = arith.constant 0 : i32
    %dma_wait3A_466 = tpu.memref_slice %arg5[%add3A_103, %dma_wait3A_465] : memref<1024x768xf32, #tpu.memory_space<hbm>> -> memref<16x768xf32, #tpu.memory_space<hbm>>
    %dma_wait3A_467 = arith.constant 0 : i32
    %dma_wait3A_468 = arith.constant 0 : i32
    %dma_wait3A_469 = tpu.memref_slice %arg9[%dma_wait3A_467, %dma_wait3A_468] : memref<64x768xf32, #tpu.memory_space<vmem>> -> memref<16x768xf32, #tpu.memory_space<vmem>>
    tpu.wait_dma2 semaphore(%arg15 : memref<!tpu.dma_semaphore, #tpu.memory_space<semaphore_mem>>) src(%dma_wait3A_469 : memref<16x768xf32, #tpu.memory_space<vmem>>) dst(%dma_wait3A_466 : memref<16x768xf32, #tpu.memory_space<hbm>>)
    %dma_wait3A_470 = arith.constant 16 : i32
    %dma_wait3A_471 = arith.constant 0 : i32
    %dma_wait3A_472 = tpu.memref_slice %arg9[%dma_wait3A_470, %dma_wait3A_471] : memref<64x768xf32, #tpu.memory_space<vmem>> -> memref<16x768xf32, #tpu.memory_space<vmem>>
    %dma_wait3A_473 = arith.constant 0 : i32
    %dma_wait3A_474 = tpu.memref_slice %arg5[%add3A_127, %dma_wait3A_473] : memref<1024x768xf32, #tpu.memory_space<hbm>> -> memref<16x768xf32, #tpu.memory_space<hbm>>
    %dma_wait3A_475 = arith.constant 0 : i32
    %dma_wait3A_476 = tpu.memref_slice %arg5[%add3A_127, %dma_wait3A_475] : memref<1024x768xf32, #tpu.memory_space<hbm>> -> memref<16x768xf32, #tpu.memory_space<hbm>>
    %dma_wait3A_477 = arith.constant 16 : i32
    %dma_wait3A_478 = arith.constant 0 : i32
    %dma_wait3A_479 = tpu.memref_slice %arg9[%dma_wait3A_477, %dma_wait3A_478] : memref<64x768xf32, #tpu.memory_space<vmem>> -> memref<16x768xf32, #tpu.memory_space<vmem>>
    tpu.wait_dma2 semaphore(%arg15 : memref<!tpu.dma_semaphore, #tpu.memory_space<semaphore_mem>>) src(%dma_wait3A_479 : memref<16x768xf32, #tpu.memory_space<vmem>>) dst(%dma_wait3A_476 : memref<16x768xf32, #tpu.memory_space<hbm>>)
    %not3A = arith.constant true
    %not3A_480 = arith.xori %eq3A_439, %not3A : i1
    %convert_element_type3A = arith.extui %not3A_480 : i1 to i32
    %cond3A = arith.constant 0 : i32
    %cond3A_481 = arith.cmpi ne, %convert_element_type3A, %cond3A : i32
    scf.if %cond3A_481 {
      %barrier3A = arith.constant 0 : index
      tpu.barrier barrier_id(%barrier3A)
      %mul3A_482 = arith.constant 64 : i32
      %mul3A_483 = arith.muli %arg1, %mul3A_482 : i32
      "tpu.region"() ({
        %run_scoped3A = tpu.sem_alloc : memref<!tpu.dma_semaphore, #tpu.memory_space<semaphore_mem>>
        %dma_start3A_493 = arith.constant 0 : i32
        %dma_start3A_494 = tpu.memref_slice %arg4[%mul3A_483, %dma_start3A_493] : memref<1024x768xf32, #tpu.memory_space<hbm>> -> memref<64x768xf32, #tpu.memory_space<hbm>>
        %dma_start3A_495 = arith.constant 0 : i32
        %dma_start3A_496 = tpu.memref_slice %arg4[%mul3A_483, %dma_start3A_495] : memref<1024x768xf32, #tpu.memory_space<hbm>> -> memref<64x768xf32, #tpu.memory_space<hbm>>
        tpu.enqueue_dma source(%dma_start3A_496 : memref<64x768xf32, #tpu.memory_space<hbm>>) target(%arg9 : memref<64x768xf32, #tpu.memory_space<vmem>>) target_semaphore(%run_scoped3A : memref<!tpu.dma_semaphore, #tpu.memory_space<semaphore_mem>>)
        %dma_wait3A_497 = arith.constant 0 : i32
        %dma_wait3A_498 = tpu.memref_slice %arg4[%mul3A_483, %dma_wait3A_497] : memref<1024x768xf32, #tpu.memory_space<hbm>> -> memref<64x768xf32, #tpu.memory_space<hbm>>
        %dma_wait3A_499 = arith.constant 0 : i32
        %dma_wait3A_500 = tpu.memref_slice %arg4[%mul3A_483, %dma_wait3A_499] : memref<1024x768xf32, #tpu.memory_space<hbm>> -> memref<64x768xf32, #tpu.memory_space<hbm>>
        tpu.wait_dma2 semaphore(%run_scoped3A : memref<!tpu.dma_semaphore, #tpu.memory_space<semaphore_mem>>) src(%dma_wait3A_500 : memref<64x768xf32, #tpu.memory_space<hbm>>) dst(%arg9 : memref<64x768xf32, #tpu.memory_space<vmem>>)
        tpu.yield
      }) : () -> ()
      %mul3A_484 = arith.constant 64 : i32
      %mul3A_485 = arith.muli %arg1, %mul3A_484 : i32
      "tpu.region"() ({
        %run_scoped3A = tpu.sem_alloc : memref<!tpu.dma_semaphore, #tpu.memory_space<semaphore_mem>>
        %dma_start3A_493 = arith.constant 0 : i32
        %dma_start3A_494 = tpu.memref_slice %arg5[%mul3A_485, %dma_start3A_493] : memref<1024x768xf32, #tpu.memory_space<hbm>> -> memref<64x768xf32, #tpu.memory_space<hbm>>
        %dma_start3A_495 = arith.constant 0 : i32
        %dma_start3A_496 = tpu.memref_slice %arg5[%mul3A_485, %dma_start3A_495] : memref<1024x768xf32, #tpu.memory_space<hbm>> -> memref<64x768xf32, #tpu.memory_space<hbm>>
        tpu.enqueue_dma source(%arg9 : memref<64x768xf32, #tpu.memory_space<vmem>>) target(%dma_start3A_496 : memref<64x768xf32, #tpu.memory_space<hbm>>) target_semaphore(%run_scoped3A : memref<!tpu.dma_semaphore, #tpu.memory_space<semaphore_mem>>)
        %dma_wait3A_497 = arith.constant 0 : i32
        %dma_wait3A_498 = tpu.memref_slice %arg5[%mul3A_485, %dma_wait3A_497] : memref<1024x768xf32, #tpu.memory_space<hbm>> -> memref<64x768xf32, #tpu.memory_space<hbm>>
        %dma_wait3A_499 = arith.constant 0 : i32
        %dma_wait3A_500 = tpu.memref_slice %arg5[%mul3A_485, %dma_wait3A_499] : memref<1024x768xf32, #tpu.memory_space<hbm>> -> memref<64x768xf32, #tpu.memory_space<hbm>>
        tpu.wait_dma2 semaphore(%run_scoped3A : memref<!tpu.dma_semaphore, #tpu.memory_space<semaphore_mem>>) src(%arg9 : memref<64x768xf32, #tpu.memory_space<vmem>>) dst(%dma_wait3A_500 : memref<64x768xf32, #tpu.memory_space<hbm>>)
        tpu.yield
      }) : () -> ()
      "tpu.region"() ({
        %run_scoped3A = tpu.sem_alloc : memref<!tpu.dma_semaphore, #tpu.memory_space<semaphore_mem>>
        %dma_start3A_493 = tpu.memref_slice %arg2[%mul3A_0] : memref<512xi32, #tpu.memory_space<hbm>> -> memref<32xi32, #tpu.memory_space<hbm>>
        %dma_start3A_494 = tpu.memref_slice %arg2[%mul3A_0] : memref<512xi32, #tpu.memory_space<hbm>> -> memref<32xi32, #tpu.memory_space<hbm>>
        tpu.enqueue_dma source(%dma_start3A_494 : memref<32xi32, #tpu.memory_space<hbm>>) target(%arg7 : memref<32xi32, #tpu.memory_space<vmem>>) target_semaphore(%run_scoped3A : memref<!tpu.dma_semaphore, #tpu.memory_space<semaphore_mem>>)
        %dma_wait3A_495 = tpu.memref_slice %arg2[%mul3A_0] : memref<512xi32, #tpu.memory_space<hbm>> -> memref<32xi32, #tpu.memory_space<hbm>>
        %dma_wait3A_496 = tpu.memref_slice %arg2[%mul3A_0] : memref<512xi32, #tpu.memory_space<hbm>> -> memref<32xi32, #tpu.memory_space<hbm>>
        tpu.wait_dma2 semaphore(%run_scoped3A : memref<!tpu.dma_semaphore, #tpu.memory_space<semaphore_mem>>) src(%dma_wait3A_496 : memref<32xi32, #tpu.memory_space<hbm>>) dst(%arg7 : memref<32xi32, #tpu.memory_space<vmem>>)
        tpu.yield
      }) : () -> ()
      "tpu.region"() ({
        %run_scoped3A = tpu.sem_alloc : memref<!tpu.dma_semaphore, #tpu.memory_space<semaphore_mem>>
        %dma_start3A_493 = arith.constant 0 : i32
        %dma_start3A_494 = tpu.memref_slice %arg3[%mul3A_0, %dma_start3A_493] : memref<512x768xf32, #tpu.memory_space<hbm>> -> memref<32x768xf32, #tpu.memory_space<hbm>>
        %dma_start3A_495 = arith.constant 0 : i32
        %dma_start3A_496 = tpu.memref_slice %arg3[%mul3A_0, %dma_start3A_495] : memref<512x768xf32, #tpu.memory_space<hbm>> -> memref<32x768xf32, #tpu.memory_space<hbm>>
        tpu.enqueue_dma source(%dma_start3A_496 : memref<32x768xf32, #tpu.memory_space<hbm>>) target(%arg8 : memref<32x768xf32, #tpu.memory_space<vmem>>) target_semaphore(%run_scoped3A : memref<!tpu.dma_semaphore, #tpu.memory_space<semaphore_mem>>)
        %dma_wait3A_497 = arith.constant 0 : i32
        %dma_wait3A_498 = tpu.memref_slice %arg3[%mul3A_0, %dma_wait3A_497] : memref<512x768xf32, #tpu.memory_space<hbm>> -> memref<32x768xf32, #tpu.memory_space<hbm>>
        %dma_wait3A_499 = arith.constant 0 : i32
        %dma_wait3A_500 = tpu.memref_slice %arg3[%mul3A_0, %dma_wait3A_499] : memref<512x768xf32, #tpu.memory_space<hbm>> -> memref<32x768xf32, #tpu.memory_space<hbm>>
        tpu.wait_dma2 semaphore(%run_scoped3A : memref<!tpu.dma_semaphore, #tpu.memory_space<semaphore_mem>>) src(%dma_wait3A_500 : memref<32x768xf32, #tpu.memory_space<hbm>>) dst(%arg8 : memref<32x768xf32, #tpu.memory_space<vmem>>)
        tpu.yield
      }) : () -> ()
      %barrier3A_486 = arith.constant 0 : index
      tpu.barrier barrier_id(%barrier3A_486)
      %dma_start3A_487 = arith.constant 0 : i32
      %dma_start3A_488 = arith.constant 0 : i32
      %dma_start3A_489 = tpu.memref_slice %arg5[%dma_start3A_487, %dma_start3A_488] : memref<1024x768xf32, #tpu.memory_space<hbm>> -> memref<1024x768xf32, #tpu.memory_space<hbm>>
      tpu.enqueue_indirect_dma source(%arg8 : memref<32x768xf32, #tpu.memory_space<vmem>>) target(%dma_start3A_489 : memref<1024x768xf32, #tpu.memory_space<hbm>>) offsets(%arg7 : memref<32xi32, #tpu.memory_space<vmem>>) semaphore(%arg15 : memref<!tpu.dma_semaphore, #tpu.memory_space<semaphore_mem>>)
      %dma_wait3A_490 = arith.constant 0 : i32
      %dma_wait3A_491 = arith.constant 0 : i32
      %dma_wait3A_492 = tpu.memref_slice %arg5[%dma_wait3A_490, %dma_wait3A_491] : memref<1024x768xf32, #tpu.memory_space<hbm>> -> memref<1024x768xf32, #tpu.memory_space<hbm>>
      tpu.wait_indirect_dma semaphore(%arg15 : memref<!tpu.dma_semaphore, #tpu.memory_space<semaphore_mem>>) src(%arg8 : memref<32x768xf32, #tpu.memory_space<vmem>>) dst(%dma_wait3A_492 : memref<1024x768xf32, #tpu.memory_space<hbm>>)
    } else {
    }
    return
  }
}

</mosaic_0001>

<sc_bundles>
// kernel: kernel.3.cloned.1.call-start
scs
__scs_entry_jumppad:
0x0: {  	(pc) =	sbr.rel $0x88, $3  }
0x1: {  	(tag) =	ssettag $0x0;
	lr =	simm.s32 $0x1  }
0x2: {  	[smem:$0x3F9E] =	sst lr;
	_ =	strace $0xD0000000  }
0x3: {  	_ = 	snop  }
0x4: {  	_ = 	snop  }
0x5: {  	_ = 	snop  }
0x6: {  	_ = 	snop  }
0x7: {  	_ = 	snop  }
__scs_overlays_trampoline_lowered:
0x8: {  	[smem:$0x3FAD] =	sst s0  }
0x9: {  	[smem:$0x3FAE] =	sst s1  }
0xa: {  	[smem:$0x3FAF] =	sst s2  }
0xb: {  	[smem:$0x3FB0] =	sst s3  }
0xc: {  	[smem:$0x3FB1] =	sst s4  }
0xd: {  	[smem:$0x3FB2] =	sst s5  }
0xe: {  	[smem:$0x3FB3] =	sst s6  }
0xf: {  	[smem:$0x3FB4] =	sst s7  }
0x10: {  	[smem:$0x3FB5] =	sst s8  }
0x11: {  	[smem:$0x3FB6] =	sst s9;
	s0 =	simm.s32 @!p0 $0x0  }
0x12: {  	s1 =	sld [smem:$0x3F9C];
	s0 =	simm.s32 @p0 $0x1  }
0x13: {  	[smem:$0x3FB7] =	sst s0;
	s0 =	simm.s32 @!p1 $0x0  }
0x14: {  	s2 =	sld [smem:$0x3F9B];
	s0 =	simm.s32 @p1 $0x1  }
0x15: {  	[smem:$0x3FB8] =	sst s0;
	s0 =	simm.s32 @!p2 $0x0  }
0x16: {  	s3 =	sld [smem:$0x3FDB];
	s0 =	simm.s32 @p2 $0x1  }
0x17: {  	s4 =	simm.s32 $0x1BF5;
	[smem:$0x3FBA] =	sst s0  }
0x18: {  	s0 =	sld [smem:$0x3F9D];
	_ =	swait.ge [sflag:s4], $0x0  }
0x19: {  	s7 =	sld [smem:$0x3F9E]  }
0x1a: {  	s8 =	sadd.s32 $0xFFFFE003, lr  }
0x1b: {  	s9 =	sadd.s32 $0xFFFFFEF7, lr;
	s5 =	simm.s32 $0xFFFFFFFF;
	p2 =	slt.u32 s8, $0xFFFFF086  }
0x1c: {  	p1 =	slt.u32 s9, $0xF7A;
	s5 =	simm.s32 @!p2 $0x0  }
0x1d: {  	s5 =	simm.s32 @p1 $0x1;
	p0 =	seq.s32 s7, s2  }
0x1e: {  	s7 =	smul.u32 @!p0 $0xF7A, s2;
	p2 =	seq.s32 @!p0 s5, $0x0  }
0x1f: {  	s9 =	smul.u32 $0xF7A, s1;
	s8 =	simm.s32 @!p0 $0x1BF5;
	p2 =	por !p2, p0  }
0x20: {  	[sflag:s8] =	ssyncset.s32 @!p0 $0xFFFFF086;
	s6 =	sadd.s32 @!p0 s3, s7;
	s7 =	simm.s32 @!p0 $0x108  }
0x21: {  	s3 =	sadd.s32 s3, s9;
	s6 =	sadd.s32 @!p0 $0x88, s6;
	s7 =	simm.s32 @p2 $0x1082  }
0x22: {  	[simem:s7], [sflag:s8] =	dma.local @!p0 [hbm:s6], $0xF7A  }
0x23: {  	s9 =	sor.u32 $0xD0000000, s2;
	s6 =	simm.s32 $0x108;
	_ =	swait.ge @!p0 [sflag:s8], $0x0  }
0x24: {  	s3 =	sadd.s32 $0x88, s3;
	s6 =	simm.s32 @!p1 $0x1082;
	[sflag:s4] =	ssyncset.s32 $0xFFFFF086  }
0x25: {  	[simem:s6], [sflag:s4] =	dma.local [hbm:s3], $0xF7A  }
0x26: {  	[smem:$0x3F9E] =	sst s1;
	(tag) =	ssettag s2;
	_ =	strace s9  }
0x27: {  	s1 =	sld [smem:$0x3FAE]  }
0x28: {  	s2 =	sld [smem:$0x3FAF]  }
0x29: {  	s4 =	sld [smem:$0x3FB1]  }
0x2a: {  	p0 =	seq.s32 s5, $0x0;
	s5 =	sld [smem:$0x3FB2]  }
0x2b: {  	s6 =	sld [smem:$0x3FB3]  }
0x2c: {  	s7 =	sld [smem:$0x3FB4]  }
0x2d: {  	s3 =	simm.s32 $0x108;
	s8 =	sld [smem:$0x3FB5]  }
0x2e: {  	s3 =	simm.s32 @!p0 $0x1082;
	s9 =	sld [smem:$0x3FB6]  }
0x2f: {  	lr =	sadd.s32 s0, s3;
	s0 =	sld [smem:$0x3FAD]  }
0x30: {  	s3 =	sld [smem:$0x3FB0]  }
0x31: {  	[smem:$0x3FB9] =	sst s10  }
0x32: {  	s10 =	sld [smem:$0x3FB7];
	_ =	sdelay $0x3  }
0x33: {  	p0 =	seq.s32 s10, $0x1;
	s10 =	sld [smem:$0x3FB9];
	_ =	sdelay $0x3  }
0x34: {  	[smem:$0x3FB9] =	sst s10  }
0x35: {  	s10 =	sld [smem:$0x3FB8];
	_ =	sdelay $0x3  }
0x36: {  	p1 =	seq.s32 s10, $0x1;
	s10 =	sld [smem:$0x3FB9];
	_ =	sdelay $0x3  }
0x37: {  	[smem:$0x3FB9] =	sst s10  }
0x38: {  	s10 =	sld [smem:$0x3FBA]  }
0x39: {  	_ = 	snop;
	(pc) =	sbr.ind lr, $3  }
0x3a: {  	_ = 	snop  }
0x3b: {  	_ = 	snop  }
0x3c: {  	p2 =	seq.s32 s10, $0x1;
	s10 =	sld [smem:$0x3FB9]  }
0x3d: {  	_ =	shalt  }
0x3e: {  	_ =	shalt  }
0x3f: {  	_ =	shalt  }
0x40: {  	_ =	shalt  }
0x41: {  	_ =	shalt  }
0x42: {  	_ =	shalt  }
0x43: {  	_ =	shalt  }
0x44: {  	_ =	shalt  }
0x45: {  	_ =	shalt  }
0x46: {  	_ =	shalt  }
0x47: {  	_ =	shalt  }
0x48: {  	_ =	shalt  }
0x49: {  	_ =	shalt  }
0x4a: {  	_ =	shalt  }
0x4b: {  	_ =	shalt  }
0x4c: {  	_ =	shalt  }
0x4d: {  	_ =	shalt  }
0x4e: {  	_ =	shalt  }
0x4f: {  	_ =	shalt  }
0x50: {  	_ =	shalt  }
0x51: {  	_ =	shalt  }
0x52: {  	_ =	shalt  }
0x53: {  	_ =	shalt  }
0x54: {  	_ =	shalt  }
0x55: {  	_ =	shalt  }
0x56: {  	_ =	shalt  }
0x57: {  	_ =	shalt  }
0x58: {  	_ =	shalt  }
0x59: {  	_ =	shalt  }
0x5a: {  	_ =	shalt  }
0x5b: {  	_ =	shalt  }
0x5c: {  	_ =	shalt  }
0x5d: {  	_ =	shalt  }
0x5e: {  	_ =	shalt  }
0x5f: {  	_ =	shalt  }
0x60: {  	_ =	shalt  }
0x61: {  	_ =	shalt  }
0x62: {  	_ =	shalt  }
0x63: {  	_ =	shalt  }
0x64: {  	_ =	shalt  }
0x65: {  	_ =	shalt  }
0x66: {  	_ =	shalt  }
0x67: {  	_ =	shalt  }
0x68: {  	_ =	shalt  }
0x69: {  	_ =	shalt  }
0x6a: {  	_ =	shalt  }
0x6b: {  	_ =	shalt  }
0x6c: {  	_ =	shalt  }
0x6d: {  	_ =	shalt  }
0x6e: {  	_ =	shalt  }
0x6f: {  	_ =	shalt  }
0x70: {  	_ =	shalt  }
0x71: {  	_ =	shalt  }
0x72: {  	_ =	shalt  }
0x73: {  	_ =	shalt  }
0x74: {  	_ =	shalt  }
0x75: {  	_ =	shalt  }
0x76: {  	_ =	shalt  }
0x77: {  	_ =	shalt  }
0x78: {  	_ =	shalt  }
0x79: {  	_ =	shalt  }
0x7a: {  	_ =	shalt  }
0x7b: {  	_ =	shalt  }
0x7c: {  	_ =	shalt  }
0x7d: {  	_ =	shalt  }
0x7e: {  	_ =	shalt  }
0x7f: {  	_ =	shalt  }
0x80: {  	_ =	shalt  }
0x81: {  	_ =	shalt  }
0x82: {  	_ =	shalt  }
0x83: {  	_ =	shalt  }
0x84: {  	_ =	shalt  }
0x85: {  	_ =	shalt  }
0x86: {  	_ =	shalt  }
0x87: {  	_ =	shalt  }
.Lfunc_end0:
.L_simem_size_0:
called_computation_lowered:
.L_overlay_start_0:
0x88: {  	s0 =	sld [smem:$0x3FD9]  }
0x89: {  	s1 =	sld [smem:$0x3FFE];
	_ =	sdelay $0x3  }
0x8a: {  	s0 =	sadd.s32 s1, s0  }
0x8b: {  	[smem:$0x3FC5] =	sst s0  }
0x8c: {  	_ = 	snop  }
0x8d: {  	s0 =	sld [smem:$0x3FC9]  }
0x8e: {  	s16 =	sld [smem:$0x3FD0];
	(tm) =	ssettm $0x1  }
0x8f: {  	s2 =	sld [smem:$0x3FFB];
	_ =	sdelay $0x3  }
0x90: {  	_ =	strace s2  }
0x91: {  	s2 =	sld [smem:$0x3FFC];
	_ =	sdelay $0x3  }
0x92: {  	_ =	strace s2  }
0x93: {  	s2 =	sld [smem:$0x3FFD];
	_ =	sdelay $0x3  }
0x94: {  	_ =	strace s2  }
0x95: {  	_ =	strace $0x8FFFFFFF  }
0x96: {  	s17 =	sld [smem:$0x3FDB];
	_ =	sdelay $0x1  }
0x97: {  	s3 =	simm.s32 $_scs_section_size  }
0x98: {  	s4 =	simm.s32 $_size__tile_overlayer_lowered;
	s5 =	simm.s32 $_tile_overlayer_lowered  }
0x99: {  	s20 =	simm.s32 $0x1BFF;
	s19 =	sshll.u32 s5, $0x1;
	s2 =	sadd.s32 s3, s17  }
0x9a: {  	s6 =	simm.s32 $0x0;
	s18 =	sshll.u32 s4, $0x1;
	s4 =	sadd.s32 s19, s2  }
0x9b: {  	[timem:s6], [sflag:s20] =	dma.local [hbm:s4], s18  }
0x9c: {  	_ =	swait.ge [sflag:s20], s18  }
0x9d: {  	s3 =	ssub.s32 $0x0, s18;
	[sflag:s20] =	ssyncset.done $0x0  }
0x9e: {  	[sflag:s20] =	ssyncadd.s32 s3;
	_ =	sdelay $0x1  }
0x9f: {  	s21 =	simm.s32 $0x1B8B  }
0xa0: {  	_ =	swait.ge [sflag:s21], $0x1  }
0xa1: {  	[sflag:s21] =	ssyncset.done $0x0  }
0xa2: {  	s23 =	simm.s32 $0x1B8E;
	s22 =	sld [smem:$0x3FFE];
	[sflag:s21] =	ssyncadd.s32 $0xFFFFFFFF  }
0xa3: {  	s24 =	simm.s32 $execute0_lowered;
	[smem:$0x3FD2] =	sst s23  }
0xa4: {  	s4 =	sshll.u32 s24, $0x1;
	_ =	strace $0x80000046;
	[dreg:$0x1] =	wrdreg $0xFFFFFFFF  }
0xa5: {  	s25 =	simm.s32 $_size_execute0_lowered;
	s2 =	sadd.s32 s2, s4;
	[dreg:$0x0] =	wrdreg $0x0  }
0xa6: {  	s4 =	sshll.u32 s25, $0x1;
	[dreg:$0x2] =	wrdreg s2  }
0xa7: {  	[dreg:$0x3] =	wrdreg s4  }
0xa8: {  	[dreg:$0x4] =	wrdreg $0xC0  }
0xa9: {  	_ =	task [dreg:s6], $0x5FFFF  }
0xaa: {  	[dreg:$0x1] =	wrdreg $0xFFFFFFFF  }
0xab: {  	[dreg:$0x0] =	wrdreg $0x60  }
0xac: {  	[dreg:$0x2] =	wrdreg s0  }
0xad: {  	[dreg:$0x3] =	wrdreg s22  }
0xae: {  	[dreg:$0x4] =	wrdreg s16  }
0xaf: {  	[dreg:$0x5] =	wrdreg $0x9  }
0xb0: {  	_ =	task.clear_ibuf [dreg:s6], $0x6FFFF;
	_ =	strace $0x90000046  }
0xb1: {  	s26 =	simm.s32 $0x9;
	_ =	strace $0x80000048  }
0xb2: {  	_ =	swait.ge [sflag:s26], $0x1  }
0xb3: {  	[sflag:s26] =	ssyncadd.s32 $0xFFFFFFFF  }
0xb4: {  	_ =	strace $0x90000048  }
0xb5: {  	_ =	sfence  }
0xb6: {  	s28 =	sld [smem:$0x0];
	_ =	sdelay $0x1  }
0xb7: {  	s29 =	srdreg.scid  }
0xb8: {  	s30 =	sshll.u32 s29, $0xD;
	s31 =	sshrl.u32 s29, $0x2  }
0xb9: {  	s1 =	sand.u32 $0x1, s29;
	s2 =	sand.u32 $0x4000, s30;
	s0 =	sadd.s32 s31, s28  }
0xba: {  	s1 =	sor.u32 s2, s1;
	s0 =	sshll.u32 s0, $0x11  }
0xbb: {  	s0 =	sor.u32 s0, s1  }
0xbc: {  	s0 =	sadd.s32 $0x8F2B, s0  }
0xbd: {  	[sflag:s0] =	ssyncadd.remote.s32 $0x1  }
0xbe: {  	_ =	sfence.sel $0xFFFF  }
0xbf: {  	[dreg:$0x0] =	wrdreg $0xFFFFFFFF;
	(pc) =	sbr.abs _section_cstart, $3  }
0xc0: {  	[dreg:$0x1] =	wrdreg $0xFFFFFFFF  }
0xc1: {  	_ =	task.clear_ibuf [dreg:s6], $0x2FFFF;
	_ =	strace $0x9FFFFFFF  }
0xc2: {  	(tm) =	ssettm $0x7FFFFFFF  }
0xc3: {  	_ =	shalt  }
tec
execute0_lowered:
.L_overlay_start_1:
0x0: {  	(tag) =	ssettag $0x1  }
0x1: {  	s6 =	rddreg [dreg:$0x0]  }
0x2: {  	s4 =	rddreg [dreg:$0x1]  }
0x3: {  	s8 =	rddreg [dreg:$0x2];
	s1 =	stileid.u32  }
0x4: {  	s0 =	rddreg [dreg:$0x3];
	s3 =	smul.u32 $0x6000, s1  }
0x5: {  	s2 =	simm.s32 $0x0;
	s5 =	simm.s32 $0x280;
	s10 =	smul.u32 $0xC00, s1  }
0x6: {  	[smem:$0x7FF] =	sst s2;
	s9 =	sadd.s32 $0x600, s4;
	s3 =	sshrl.u32 s3, $0x3  }
0x7: {  	_ =	strace $0x80000047;
	s7 =	sadd.s32 s9, s10;
	s11 =	sadd.s32 $0x600, s3  }
0x8: {  	[tilespmem:s5], [sflag:$0x1] =	stream.linear.gather [hbm4b:s7+s2], $0x3000, $0x38;
	[tilespmem:$0x12280] =	vst v63  }
0x9: {  	s12 =	sadd.s32 $0xC000, s10;
	s3 =	simm.s32 $0x3280;
	s9 =	sadd.s32 s9, s11  }
0xa: {  	[tilespmem:s3], [sflag:$0x2] =	stream.linear.gather [hbm4b:s9+s2], $0x3000, $0x38;
	[tilespmem:$0x12280] =	vst v63  }
0xb: {  	s14 =	sadd.s32 $0xC600, s10;
	s13 =	sadd.s32 s8, s12;
	s9 =	simm.s32 $0x6280  }
0xc: {  	[tilespmem:s9], [sflag:$0x3] =	stream.linear.gather [hbm4b:s13+s2], $0x3000, $0x38;
	[tilespmem:$0x12280] =	vst v63  }
0xd: {  	s15 =	simm.s32 $0x9280;
	s26 =	sadd.s32 s8, s14  }
0xe: {  	[tilespmem:s15], [sflag:$0x4] =	stream.linear.gather [hbm4b:s26+s2], $0x3000, $0x38;
	[tilespmem:$0x12280] =	vst v63  }
0xf: {  	s28 =	simm.s32 $0x1  }
0x10: {  	[tilespmem:s2], [sflag:$0x5] =	stream.linear.gather [hbm4b:s6+s2], $0x200, $0x38;
	[tilespmem:$0x12280] =	vst v63  }
0x11: {  	_ =	swait.ge [sflag:s28], $0x3000  }
0x12: {  	s4 =	sadd.s32 $0xC600, s4;
	[sflag:s28] =	ssyncset.done $0x0  }
0x13: {  	s29 =	simm.s32 $0x2;
	s10 =	sadd.s32 s4, s10;
	[sflag:s28] =	ssyncadd.s32 $0xFFFFD000  }
0x14: {  	[hbm4b:s10+s2] =	stream.linear.scatter [tilespmem:s5], [sflag:$0x6], $0x3000, $0x38;
	[tilespmem:$0x12280] =	vst v63  }
0x15: {  	_ =	swait.ge [sflag:s29], $0x3000  }
0x16: {  	[sflag:s29] =	ssyncset.done $0x0  }
0x17: {  	s30 =	simm.s32 $0x3;
	s11 =	sadd.s32 s4, s11;
	[sflag:s29] =	ssyncadd.s32 $0xFFFFD000  }
0x18: {  	[hbm4b:s11+s2] =	stream.linear.scatter [tilespmem:s3], [sflag:$0x6], $0x3000, $0x38;
	[tilespmem:$0x12280] =	vst v63  }
0x19: {  	_ =	swait.ge [sflag:s30], $0x3000  }
0x1a: {  	[sflag:s30] =	ssyncset.done $0x0  }
0x1b: {  	s31 =	sadd.s32 s4, s12;
	s12 =	simm.s32 $0x4;
	[sflag:s30] =	ssyncadd.s32 $0xFFFFD000  }
0x1c: {  	[hbm4b:s31+s2] =	stream.linear.scatter [tilespmem:s9], [sflag:$0x6], $0x3000, $0x38;
	[tilespmem:$0x12280] =	vst v63  }
0x1d: {  	_ =	swait.ge [sflag:s12], $0x3000  }
0x1e: {  	[sflag:s12] =	ssyncset.done $0x0  }
0x1f: {  	s13 =	sadd.s32 s4, s14;
	s14 =	simm.s32 $0x5;
	[sflag:s12] =	ssyncadd.s32 $0xFFFFD000  }
0x20: {  	[hbm4b:s13+s2] =	stream.linear.scatter [tilespmem:s15], [sflag:$0x6], $0x3000, $0x38;
	[tilespmem:$0x12280] =	vst v63  }
0x21: {  	_ =	swait.ge [sflag:s14], $0x200  }
0x22: {  	[sflag:s14] =	ssyncset.done $0x0  }
0x23: {  	[sflag:s14] =	ssyncadd.s32 $0xFFFFFE00  }
0x24: {  	v1 =	vld [tilespmem:$0x0]  }
0x25: {  	v2 =	vld [tilespmem:$0x10]  }
0x26: {  	v3 =	vld [tilespmem:$0x20]  }
0x27: {  	v4 =	vld [tilespmem:$0x30]  }
0x28: {  	v0 =	vlaneseq.u32;
	v5 =	vld [tilespmem:$0x40]  }
0x29: {  	v6 =	vor.u32 $0x10, v0;
	v7 =	vld [tilespmem:$0x50]  }
0x2a: {  	v38 =	vor.u32 $0x20, v0;
	v8 =	vld [tilespmem:$0x60];
	v1 =	vxor.u32 v0, v1;
	v2 =	vxor.u32 v6, v2  }
0x2b: {  	v39 =	vld [tilespmem:$0x70];
	v1 =	vor.u32 v1, v2;
	v2 =	vxor.u32 v38, v3;
	v3 =	vor.u32 $0x30, v0  }
0x2c: {  	v40 =	vld [tilespmem:$0x80];
	v1 =	vor.u32 v2, v1;
	v2 =	vxor.u32 v3, v4;
	v3 =	vor.u32 $0x40, v0  }
0x2d: {  	v41 =	vld [tilespmem:$0x90];
	v1 =	vor.u32 v2, v1;
	v2 =	vxor.u32 v3, v5;
	v3 =	vor.u32 $0x50, v0  }
0x2e: {  	v42 =	vld [tilespmem:$0xA0];
	v1 =	vor.u32 v2, v1;
	v2 =	vxor.u32 v3, v7;
	v3 =	vor.u32 $0x60, v0  }
0x2f: {  	v43 =	vld [tilespmem:$0xB0];
	v1 =	vor.u32 v2, v1;
	v2 =	vxor.u32 v3, v8;
	v3 =	vor.u32 $0x70, v0  }
0x30: {  	v44 =	vld [tilespmem:$0xC0];
	v1 =	vor.u32 v2, v1;
	v2 =	vxor.u32 v3, v39;
	v3 =	vor.u32 $0x80, v0  }
0x31: {  	v45 =	vld [tilespmem:$0xD0];
	v1 =	vor.u32 v2, v1;
	v2 =	vxor.u32 v3, v40;
	v3 =	vor.u32 $0x90, v0  }
0x32: {  	v46 =	vld [tilespmem:$0xE0];
	v1 =	vor.u32 v2, v1;
	v2 =	vxor.u32 v3, v41;
	v3 =	vor.u32 $0xA0, v0  }
0x33: {  	v47 =	vld [tilespmem:$0xF0];
	v1 =	vor.u32 v2, v1;
	v2 =	vxor.u32 v3, v42;
	v3 =	vor.u32 $0xB0, v0  }
0x34: {  	v48 =	vld [tilespmem:$0x100];
	v1 =	vor.u32 v2, v1;
	v2 =	vxor.u32 v3, v43;
	v3 =	vor.u32 $0xC0, v0  }
0x35: {  	v49 =	vld [tilespmem:$0x110];
	v1 =	vor.u32 v2, v1;
	v2 =	vxor.u32 v3, v44;
	v3 =	vor.u32 $0xD0, v0  }
0x36: {  	v50 =	vld [tilespmem:$0x120];
	v1 =	vor.u32 v2, v1;
	v2 =	vxor.u32 v3, v45;
	v3 =	vor.u32 $0xE0, v0  }
0x37: {  	v51 =	vld [tilespmem:$0x130];
	v1 =	vor.u32 v2, v1;
	v2 =	vxor.u32 v3, v46;
	v3 =	vor.u32 $0xF0, v0  }
0x38: {  	v52 =	vld [tilespmem:$0x140];
	v1 =	vor.u32 v2, v1;
	v2 =	vxor.u32 v3, v47;
	v3 =	vor.u32 $0x100, v0  }
0x39: {  	v53 =	vld [tilespmem:$0x150];
	v1 =	vor.u32 v2, v1;
	v2 =	vxor.u32 v3, v48;
	v3 =	vor.u32 $0x110, v0  }
0x3a: {  	v54 =	vld [tilespmem:$0x160];
	v1 =	vor.u32 v2, v1;
	v2 =	vxor.u32 v3, v49;
	v3 =	vor.u32 $0x120, v0  }
0x3b: {  	v55 =	vld [tilespmem:$0x170];
	v1 =	vor.u32 v2, v1;
	v2 =	vxor.u32 v3, v50;
	v3 =	vor.u32 $0x130, v0  }
0x3c: {  	v56 =	vld [tilespmem:$0x180];
	v1 =	vor.u32 v2, v1;
	v2 =	vxor.u32 v3, v51;
	v3 =	vor.u32 $0x140, v0  }
0x3d: {  	v57 =	vld [tilespmem:$0x190];
	v1 =	vor.u32 v2, v1;
	v2 =	vxor.u32 v3, v52;
	v3 =	vor.u32 $0x150, v0  }
0x3e: {  	v58 =	vld [tilespmem:$0x1A0];
	v1 =	vor.u32 v2, v1;
	v2 =	vxor.u32 v3, v53;
	v3 =	vor.u32 $0x160, v0  }
0x3f: {  	v59 =	vld [tilespmem:$0x1B0];
	v1 =	vor.u32 v2, v1;
	v2 =	vxor.u32 v3, v54;
	v3 =	vor.u32 $0x170, v0  }
0x40: {  	v60 =	vld [tilespmem:$0x1C0];
	v1 =	vor.u32 v2, v1;
	v2 =	vxor.u32 v3, v55;
	v3 =	vor.u32 $0x180, v0  }
0x41: {  	v61 =	vld [tilespmem:$0x1D0];
	v1 =	vor.u32 v2, v1;
	v2 =	vxor.u32 v3, v56;
	v3 =	vor.u32 $0x190, v0  }
0x42: {  	v62 =	vld [tilespmem:$0x1E0];
	v1 =	vor.u32 v2, v1;
	v2 =	vxor.u32 v3, v57;
	v3 =	vor.u32 $0x1A0, v0  }
0x43: {  	v63 =	vld [tilespmem:$0x1F0];
	v1 =	vor.u32 v2, v1;
	v2 =	vxor.u32 v3, v58;
	v3 =	vor.u32 $0x1B0, v0  }
0x44: {  	v1 =	vor.u32 v2, v1;
	v2 =	vxor.u32 v3, v59;
	v3 =	vor.u32 $0x1C0, v0  }
0x45: {  	v1 =	vor.u32 v2, v1;
	v2 =	vxor.u32 v3, v60;
	v3 =	vor.u32 $0x1D0, v0  }
0x46: {  	v1 =	vor.u32 v2, v1;
	v2 =	vxor.u32 v3, v61;
	v3 =	vor.u32 $0x1E0, v0  }
0x47: {  	v1 =	vor.u32 v2, v1;
	v2 =	vxor.u32 v3, v62;
	v3 =	vor.u32 $0x1F0, v0  }
0x48: {  	v1 =	vor.u32 v2, v1;
	v2 =	vxor.u32 v3, v63  }
0x49: {  	v1 =	vor.u32 v2, v1  }
0x4a: {  	(v2sf) =	vpush v1, $0x0  }
0x4b: {  	(v2sf) =	vpush v1, $0x1  }
0x4c: {  	(v2sf) =	vpush v1, $0x2  }
0x4d: {  	(v2sf) =	vpush v1, $0x3  }
0x4e: {  	(v2sf) =	vpush v1, $0x4  }
0x4f: {  	(v2sf) =	vpush v1, $0x5  }
0x50: {  	(v2sf) =	vpush v1, $0x6  }
0x51: {  	(v2sf) =	vpush v1, $0x7  }
0x52: {  	(v2sf) =	vpush v1, $0x8  }
0x53: {  	(v2sf) =	vpush v1, $0x9  }
0x54: {  	(v2sf) =	vpush v1, $0xA  }
0x55: {  	(v2sf) =	vpush v1, $0xB  }
0x56: {  	(v2sf) =	vpush v1, $0xC  }
0x57: {  	(v2sf) =	vpush v1, $0xD  }
0x58: {  	(v2sf) =	vpush v1, $0xE  }
0x59: {  	s15 =	spop (v2sf);
	(v2sf) =	vpush v1, $0xF  }
0x5a: {  	s22 =	spop (v2sf)  }
0x5b: {  	s23 =	spop (v2sf)  }
0x5c: {  	s24 =	spop (v2sf)  }
0x5d: {  	s25 =	spop (v2sf)  }
0x5e: {  	s26 =	spop (v2sf)  }
0x5f: {  	s16 =	spop (v2sf)  }
0x60: {  	s10 =	sor.u32 s22, s15;
	s17 =	spop (v2sf)  }
0x61: {  	s10 =	sor.u32 s23, s10;
	s18 =	spop (v2sf)  }
0x62: {  	s10 =	sor.u32 s24, s10;
	s19 =	spop (v2sf)  }
0x63: {  	s10 =	sor.u32 s25, s10;
	s20 =	spop (v2sf)  }
0x64: {  	s14 =	sor.u32 s26, s10;
	s21 =	spop (v2sf)  }
0x65: {  	s14 =	sor.u32 s16, s14;
	s28 =	spop (v2sf)  }
0x66: {  	s14 =	sor.u32 s17, s14;
	s29 =	spop (v2sf)  }
0x67: {  	s14 =	sor.u32 s18, s14;
	s30 =	spop (v2sf)  }
0x68: {  	s10 =	simm.s32 $0x6;
	s14 =	sor.u32 s19, s14;
	s31 =	spop (v2sf)  }
0x69: {  	s14 =	sor.u32 s20, s14;
	_ =	swait.ge [sflag:s10], $0x3000  }
0x6a: {  	s14 =	sor.u32 s21, s14;
	[sflag:s10] =	ssyncset.done $0x0  }
0x6b: {  	s11 =	sor.u32 s28, s14;
	[sflag:s10] =	ssyncadd.s32 $0xFFFFD000  }
0x6c: {  	s11 =	sor.u32 s29, s11;
	_ =	swait.ge [sflag:s10], $0x3000  }
0x6d: {  	s11 =	sor.u32 s30, s11;
	[sflag:s10] =	ssyncset.done $0x0  }
0x6e: {  	s11 =	sor.u32 s31, s11;
	[sflag:s10] =	ssyncadd.s32 $0xFFFFD000  }
0x6f: {  	p0 =	seq.s32 s11, $0x0;
	_ =	swait.ge [sflag:s10], $0x3000  }
.Ltmp0:
0x70: {  	[sflag:s10] =	ssyncset.done $0x0;
	(pc) =	sbr.rel @p0 .LBB2_2-.Ltmp0, $4  }
0x71: {  	[sflag:s10] =	ssyncadd.s32 $0xFFFFD000  }
0x72: {  	_ =	swait.ge [sflag:s10], $0x3000  }
0x73: {  	[sflag:s10] =	ssyncset.done $0x0  }
0x74: {  	[sflag:s10] =	ssyncadd.s32 $0xFFFFD000  }
0x75: {  	s11 =	smul.u32 $0x1800, s1;
	_ =	sdelay $0x1  }
0x76: {  	[bflag:$0x0] =	sbarrier.arrive $0xFFFF;
	s16 =	simm.s32 $0x7;
	s8 =	sadd.s32 s8, s11  }
0x77: {  	[tilespmem:s9], [sflag:$0x7] =	stream.linear.gather [hbm4b:s8+s2], $0xC000, $0x38;
	[tilespmem:$0x12280] =	vst v63  }
0x78: {  	_ =	swait.ge [sflag:s16], $0xC000  }
0x79: {  	[sflag:s16] =	ssyncset.done $0x0  }
0x7a: {  	s11 =	sadd.s32 s4, s11;
	[sflag:s16] =	ssyncadd.s32 $0xFFFF4000  }
0x7b: {  	[hbm4b:s11+s2] =	stream.linear.scatter [tilespmem:s9], [sflag:$0x7], $0xC000, $0x38;
	[tilespmem:$0x12280] =	vst v63  }
0x7c: {  	_ =	swait.ge [sflag:s16], $0xC000  }
0x7d: {  	s17 =	sshll.u32 s1, $0x2;
	[sflag:s16] =	ssyncset.done $0x0  }
0x7e: {  	s18 =	simm.s32 $0x200;
	s6 =	sadd.s32 s6, s17;
	[sflag:s16] =	ssyncadd.s32 $0xFFFF4000  }
0x7f: {  	[tilespmem:s18], [sflag:$0x7] =	stream.linear.gather [hbm4b:s6+s2], $0x20, $0x38;
	[tilespmem:$0x12280] =	vst v63  }
0x80: {  	_ =	swait.ge [sflag:s16], $0x20  }
0x81: {  	[sflag:s16] =	ssyncset.done $0x0  }
0x82: {  	[sflag:s16] =	ssyncadd.s32 $0xFFFFFFE0  }
0x83: {  	[tilespmem:s5], [sflag:$0x7] =	stream.linear.gather [hbm4b:s7+s2], $0x6000, $0x38;
	[tilespmem:$0x12280] =	vst v63  }
0x84: {  	_ =	swait.ge [sflag:s16], $0x6000  }
0x85: {  	[sflag:s16] =	ssyncset.done $0x0  }
0x86: {  	[sflag:s16] =	ssyncadd.s32 $0xFFFFA000  }
0x87: {  	[bflag:$0x0] =	sbarrier.arrive $0xFFFF  }
0x88: {  	v1 =	vld [tilespmem:$0x200];
	_ =	sdelay $0x4  }
0x89: {  	v2 =	vshrl.u32 v1, $0x3  }
0x8a: {  	v2 =	vmul.u32 $0x30, v2  }
0x8b: {  	v1 =	vand.u32 $0x7, v1  }
0x8c: {  	v61 =	vand.u32 $0x7, v0;
	v3 =	vshrl.u32 v0, $0x3;
	v1 =	vor.u32 v1, v2  }
0x8d: {  	v3 =	vmul.u32 $0x8, v3;
	v4 =	vperm.xlane v1, v61;
	_ =	sdelay $0x1  }
0x8e: {  	v4 =	vadd.s32 v3, v4;
	_ =	sdelay $0x2  }
0x8f: {  	v62 =	vor.u32 $0x8, v0  }
0x90: {  	vm0 =	vmmov $0xffff;
	v1 =	vperm.xlane v1, v62  }
0x91: {  	[hbm4b:s4+s2] =	stream.indirect_vreg.scatter [tilespmem:s5], [sflag:$0x6], $0x80, v4, vm0, $0xb8;
	[tilespmem:$0x12280] =	vst v63  }
0x92: {  	s19 =	sadd.s32 $0x100, s4;
	s20 =	simm.s32 $0xA80;
	v1 =	vadd.s32 v3, v1  }
0x93: {  	[hbm4b:s19+s2] =	stream.indirect_vreg.scatter [tilespmem:s20], [sflag:$0x6], $0x80, v4, vm0, $0xb8;
	[tilespmem:$0x12280] =	vst v63  }
0x94: {  	s21 =	sadd.s32 $0x200, s4;
	s22 =	simm.s32 $0x1280  }
0x95: {  	[hbm4b:s21+s2] =	stream.indirect_vreg.scatter [tilespmem:s22], [sflag:$0x6], $0x80, v4, vm0, $0xb8;
	[tilespmem:$0x12280] =	vst v63  }
0x96: {  	s23 =	simm.s32 $0x1A80  }
0x97: {  	[hbm4b:s4+s2] =	stream.indirect_vreg.scatter [tilespmem:s23], [sflag:$0x6], $0x80, v1, vm0, $0xb8;
	[tilespmem:$0x12280] =	vst v63  }
0x98: {  	s24 =	simm.s32 $0x2280  }
0x99: {  	[hbm4b:s19+s2] =	stream.indirect_vreg.scatter [tilespmem:s24], [sflag:$0x6], $0x80, v1, vm0, $0xb8;
	[tilespmem:$0x12280] =	vst v63  }
0x9a: {  	s25 =	simm.s32 $0x2A80  }
0x9b: {  	[hbm4b:s21+s2] =	stream.indirect_vreg.scatter [tilespmem:s25], [sflag:$0x6], $0x80, v1, vm0, $0xb8;
	[tilespmem:$0x12280] =	vst v63  }
0x9c: {  	v1 =	vld [tilespmem:$0x210];
	_ =	sdelay $0x4  }
0x9d: {  	v63 =	vshrl.u32 v1, $0x3  }
0x9e: {  	v4 =	vmul.u32 $0x30, v63  }
0x9f: {  	v1 =	vand.u32 $0x7, v1  }
0xa0: {  	v1 =	vor.u32 v1, v4  }
0xa1: {  	v2 =	vperm.xlane v1, v61;
	_ =	sdelay $0x1  }
0xa2: {  	v2 =	vadd.s32 v3, v2;
	_ =	sdelay $0x3  }
0xa3: {  	v0 =	vperm.xlane v1, v62  }
0xa4: {  	[hbm4b:s4+s2] =	stream.indirect_vreg.scatter [tilespmem:s3], [sflag:$0x6], $0x80, v2, vm0, $0xb8;
	[tilespmem:$0x12280] =	vst v63  }
0xa5: {  	s26 =	simm.s32 $0x3A80;
	v0 =	vadd.s32 v3, v0  }
0xa6: {  	[hbm4b:s19+s2] =	stream.indirect_vreg.scatter [tilespmem:s26], [sflag:$0x6], $0x80, v2, vm0, $0xb8;
	[tilespmem:$0x12280] =	vst v63  }
0xa7: {  	s28 =	simm.s32 $0x4280  }
0xa8: {  	[hbm4b:s21+s2] =	stream.indirect_vreg.scatter [tilespmem:s28], [sflag:$0x6], $0x80, v2, vm0, $0xb8;
	[tilespmem:$0x12280] =	vst v63  }
0xa9: {  	s29 =	simm.s32 $0x4A80  }
0xaa: {  	[hbm4b:s4+s2] =	stream.indirect_vreg.scatter [tilespmem:s29], [sflag:$0x6], $0x80, v0, vm0, $0xb8;
	[tilespmem:$0x12280] =	vst v63  }
0xab: {  	s30 =	simm.s32 $0x5280  }
0xac: {  	[hbm4b:s19+s2] =	stream.indirect_vreg.scatter [tilespmem:s30], [sflag:$0x6], $0x80, v0, vm0, $0xb8;
	[tilespmem:$0x12280] =	vst v63  }
0xad: {  	s31 =	simm.s32 $0x5A80  }
0xae: {  	[hbm4b:s21+s2] =	stream.indirect_vreg.scatter [tilespmem:s31], [sflag:$0x6], $0x80, v0, vm0, $0xb8;
	[tilespmem:$0x12280] =	vst v63  }
0xaf: {  	_ =	swait.ge [sflag:s10], $0x6000  }
0xb0: {  	[sflag:s10] =	ssyncset.done $0x0  }
0xb1: {  	[sflag:s10] =	ssyncadd.s32 $0xFFFFA000  }
.LBB2_2:
0xb2: {  	_ =	sfence.sel $0x180000  }
0xb3: {  	[bflag:$0x0] =	sbarrier.arrive $0xFFFF  }
0xb4: {  	p0 =	sne.s32 s1, $0x0;
	_ =	strace $0x90000047  }
0xb5: {  	s0 =	sadd.s32 @!p0 $0x100000, s0;
	[bflag:$0x2] =	sbarrier.arrive $0xFFFF  }
0xb6: {  	[sflag:s0] =	ssyncadd.tile.s32 @!p0 $0x1;
	_ =	shalt  }
.Lfunc_end2:
_tile_overlayer_lowered:
.L_overlay_start_2:
0xb7: {  	(tag) =	ssettag $0x2  }
0xb8: {  	s0 =	rddreg [dreg:$0x0];
	s2 =	stileid.u32  }
0xb9: {  	s1 =	rddreg [dreg:$0x1];
	p0 =	sne.s32 s2, $0x0  }
0xba: {  	s3 =	rddreg [dreg:$0x2];
	[bflag:$0x3] =	sbarrier.arrive $0xFFFF;
	s2 =	simm.s32 @!p0 $0x1C07  }
0xbb: {  	[timem:s3], [sflag:s2] =	dma.local @!p0 [hbm:s0], s1  }
0xbc: {  	s0 =	simm.s32 @!p0 $0x7  }
0xbd: {  	_ =	swait.ge @!p0 [sflag:s0], s1  }
0xbe: {  	s1 =	ssub.s32 @!p0 $0x0, s1;
	[sflag:s0] =	ssyncset.done @!p0 $0x0  }
0xbf: {  	[sflag:s0] =	ssyncadd.s32 @!p0 s1  }
0xc0: {  	[bflag:$0x3] =	sbarrier.arrive $0xFFFF  }
0xc1: {  	_ =	shalt  }

</sc_bundles>
